<compile_context>
chip_gen: v7x
topology: tpu7x:2x2x1
jax: 0.10.2.dev20260603
libtpu: 0.0.44.dev20260713+nightly
codegen_flags: <defaults>
</compile_context>

<pallas_src>
import functools

import jax
import jax.numpy as jnp
from jax import lax
from jax.experimental import pallas as pl
from jax.experimental.pallas import tpu as pltpu
from jax.experimental.pallas import tpu_sc as plsc

N = 10000
D = 128
DH = 64
NPAD = 10008
NC = 2
NS = 16
NW = NC * NS
CH = 128
E_PAD = 327680
NROWS = E_PAD // CH
CPT = NROWS // NS
CPT_D = NROWS // NW
RPT = 632
DEG_W = 8

_mesh = plsc.VectorSubcoreMesh(core_axis_name="c", subcore_axis_name="s")
_sc_params = pltpu.CompilerParams(use_tc_tiling_on_sc=False)


@functools.partial(
    pl.kernel,
    out_type=jax.ShapeDtypeStruct((NC, NPAD, DEG_W), jnp.float32),
    mesh=_mesh,
    compiler_params=_sc_params,
    scratch_types=[
        pltpu.VMEM((CPT_D, CH), jnp.int32),
        pltpu.VMEM((CH, DEG_W), jnp.float32),
        pltpu.VMEM((RPT, DEG_W), jnp.float32),
        pltpu.VMEM_SHARED((NPAD, DEG_W), jnp.float32),
    ],
)
def _sc_degree(dst_hbm, out_hbm, dst_v, ones_v, wb, acc):
    cid = lax.axis_index("c")
    sid = lax.axis_index("s")
    wid = cid * NS + sid

    pltpu.sync_copy(dst_hbm.at[pl.ds(wid * CPT_D, CPT_D)], dst_v)

    def _fill(i, _):
        wb[i, pl.ds(0, DEG_W)] = jnp.zeros((DEG_W,), jnp.float32)
        return 0

    lax.fori_loop(0, RPT, _fill, 0)

    def _fill1(i, _):
        ones_v[i, pl.ds(0, DEG_W)] = jnp.full((DEG_W,), 1.0, jnp.float32)
        return 0

    lax.fori_loop(0, CH, _fill1, 0)

    base = pl.multiple_of(jnp.minimum(sid * RPT, NPAD - RPT), 8)
    pltpu.sync_copy(wb, acc.at[pl.ds(base, RPT)])
    plsc.subcore_barrier()

    def _count(j, _):
        pltpu.sync_copy(ones_v, acc.at[dst_v.at[j]], add=True)
        return 0

    lax.fori_loop(0, CPT_D, _count, 0)
    plsc.subcore_barrier()

    pltpu.sync_copy(acc.at[pl.ds(base, RPT)], wb)
    pltpu.sync_copy(wb, out_hbm.at[cid, pl.ds(base, RPT)])


@functools.partial(
    pl.kernel,
    out_type=jax.ShapeDtypeStruct((NC, NPAD, DH), jnp.float32),
    mesh=_mesh,
    compiler_params=_sc_params,
    scratch_types=[
        pltpu.VMEM((CPT, CH), jnp.int32),
        pltpu.VMEM((CPT, CH), jnp.int32),
        pltpu.VMEM((CH, DH), jnp.float32),
        pltpu.VMEM((RPT, DH), jnp.float32),
        pltpu.VMEM_SHARED((NPAD, DH), jnp.float32),
        pltpu.SemaphoreType.DMA,
    ],
)
def _sc_scatter(z_hbm, src_hbm, dst_hbm, out_hbm,
                src_v, dst_v, buf_a, wb, acc, sem_a):
    cid = lax.axis_index("c")
    sid = lax.axis_index("s")

    pltpu.sync_copy(src_hbm.at[cid, pl.ds(sid * CPT, CPT)], src_v)
    pltpu.sync_copy(dst_hbm.at[pl.ds(sid * CPT, CPT)], dst_v)

    def _zero_row(i, _):
        for j in range(DH // 16):
            wb[i, pl.ds(j * 16, 16)] = jnp.zeros((16,), jnp.float32)
        return 0

    lax.fori_loop(0, RPT, _zero_row, 0)

    base = pl.multiple_of(jnp.minimum(sid * RPT, NPAD - RPT), 8)
    pltpu.sync_copy(wb, acc.at[pl.ds(base, RPT)])
    plsc.subcore_barrier()

    def _one(j, _):
        pltpu.async_copy(z_hbm.at[src_v.at[j]], buf_a, sem_a).wait()
        pltpu.sync_copy(buf_a, acc.at[dst_v.at[j]], add=True)
        return 0

    lax.fori_loop(0, CPT, _one, 0)
    plsc.subcore_barrier()

    pltpu.sync_copy(acc.at[pl.ds(base, RPT)], wb)
    pltpu.sync_copy(wb, out_hbm.at[cid, pl.ds(base, RPT)])


def _tc_degsum(dp_ref, o_ref):
    v = dp_ref[0] + dp_ref[1]
    o_ref[...] = lax.rsqrt(v + 1.0)


def _tc_first(x_ref, sb_ref, w_ref, o_ref):
    sb = sb_ref[...]
    x = x_ref[...]
    for h in range(2):
        o_ref[h] = sb * jnp.dot(x, w_ref[h], preferred_element_type=jnp.float32)


def _tc_mid(agg_ref, z_ref, sb_ref, wq_ref, b_ref, o_ref):
    sb = sb_ref[...]
    h0 = jnp.maximum(sb * (agg_ref[0] + z_ref[0]) + b_ref[0], 0.0)
    h1 = jnp.maximum(sb * (agg_ref[1] + z_ref[1]) + b_ref[1], 0.0)
    for h in range(2):
        acc = jnp.dot(h0, wq_ref[0, h], preferred_element_type=jnp.float32)
        acc = acc + jnp.dot(h1, wq_ref[1, h], preferred_element_type=jnp.float32)
        o_ref[h] = sb * acc


def _tc_last(agg_ref, z_ref, sb_ref, b_ref, o0_ref, o1_ref):
    sb = sb_ref[...]
    o0_ref[...] = sb * (agg_ref[0] + z_ref[0]) + b_ref[0]
    o1_ref[...] = sb * (agg_ref[1] + z_ref[1]) + b_ref[1]


_BLK = 1000
_GRID = N // _BLK

_x_spec = pl.BlockSpec((_BLK, D), lambda i: (i, 0))
_sb_spec = pl.BlockSpec((_BLK, DH), lambda i: (i, 0))
_half_spec = pl.BlockSpec((NC, _BLK, DH), lambda i: (0, i, 0))
_whalf_spec = pl.BlockSpec((NC, D, DH), lambda i: (0, 0, 0))
_wq_spec = pl.BlockSpec((NC, NC, DH, DH), lambda i: (0, 0, 0, 0))
_bh_spec = pl.BlockSpec((NC, 1, DH), lambda i: (0, 0, 0))
_zhalf_sds = jax.ShapeDtypeStruct((NC, N, DH), jnp.float32)


def _deg_to_s(degp):
    return pl.pallas_call(
        _tc_degsum,
        in_specs=[pl.BlockSpec((NC, NPAD, DEG_W), lambda: (0, 0, 0))],
        out_specs=pl.BlockSpec((NPAD, DEG_W), lambda: (0, 0)),
        out_shape=jax.ShapeDtypeStruct((NPAD, DEG_W), jnp.float32),
    )(degp)


def _first_stage(x, sb, wh):
    return pl.pallas_call(
        _tc_first,
        grid=(_GRID,),
        in_specs=[_x_spec, _sb_spec, _whalf_spec],
        out_specs=_half_spec,
        out_shape=_zhalf_sds,
    )(x, sb, wh)


def _mid_stage(agg, z, sb, wq, bh):
    return pl.pallas_call(
        _tc_mid,
        grid=(_GRID,),
        in_specs=[_half_spec, _half_spec, _sb_spec, _wq_spec, _bh_spec],
        out_specs=_half_spec,
        out_shape=_zhalf_sds,
    )(agg, z, sb, wq, bh)


def _last_stage(agg, z, sb, bh):
    lo, hi = pl.pallas_call(
        _tc_last,
        grid=(_GRID,),
        in_specs=[_half_spec, _half_spec, _sb_spec, _bh_spec],
        out_specs=[_sb_spec, _sb_spec],
        out_shape=[jax.ShapeDtypeStruct((N, DH), jnp.float32)] * 2,
    )(agg, z, sb, bh)
    return jnp.concatenate([lo, hi], axis=1)


def _split_w(W):
    return W.reshape(2, DH, 2, DH).transpose(0, 2, 1, 3)


def kernel(x, edge_index, W1, b1, W2, b2, W3, b3):
    src = edge_index[0]
    dst = edge_index[1]
    e = src.shape[0]
    pad = E_PAD - e
    src_p = jnp.concatenate([src, jnp.zeros((pad,), jnp.int32)])
    dst_p = jnp.concatenate([dst, jnp.full((pad,), N, jnp.int32)])
    src2d = src_p.reshape(NROWS, CH)
    dst2d = dst_p.reshape(NROWS, CH)
    src3 = jnp.stack([src2d, src2d + N])

    w1h = W1.reshape(D, 2, DH).transpose(1, 0, 2)
    wq2 = _split_w(W2)
    wq3 = _split_w(W3)
    b1h = b1.reshape(2, 1, DH)
    b2h = b2.reshape(2, 1, DH)
    b3h = b3.reshape(2, 1, DH)

    degp = _sc_degree(dst2d)
    s8 = _deg_to_s(degp)
    sb = jnp.broadcast_to(s8[:N, :1], (N, DH))

    z1 = _first_stage(x, sb, w1h)
    a1 = _sc_scatter(z1.reshape(NC * N, DH), src3, dst2d)
    z2 = _mid_stage(a1, z1, sb, wq2, b1h)
    a2 = _sc_scatter(z2.reshape(NC * N, DH), src3, dst2d)
    z3 = _mid_stage(a2, z2, sb, wq3, b2h)
    a3 = _sc_scatter(z3.reshape(NC * N, DH), src3, dst2d)
    return _last_stage(a3, z3, sb, b3h)

# --- scband reference (transcript-rebuilt; emitter-appended) ---
"""Pipeline reference for scband-gcnencoder-65704409694292 (READ-ONLY COPY).

The authoritative reference and input builder live on the scoring server;
editing this copy changes nothing except your own understanding.
"""

import jax, jax.numpy as jnp
import numpy as np

N_NODES = 10000
N_EDGES = 320000
D_IN = 128
D_H1 = 128
D_H2 = 128
D_OUT = 128


def _glorot(key, fan_in, fan_out):
    limit = np.sqrt(6.0 / (fan_in + fan_out))
    return jax.random.uniform(key, (fan_in, fan_out), dtype=jnp.float32, minval=-limit, maxval=limit)


def gcn_conv(x, W, b, src, dst, deg_inv_sqrt):
    # GCNConv with added self-loops and symmetric normalization:
    # out = D^{-1/2} (A + I) D^{-1/2} X W + b
    lin = x @ W
    norm = deg_inv_sqrt[src] * deg_inv_sqrt[dst]
    msgs = jnp.take(lin, src, axis=0) * norm[:, None]
    agg = jax.ops.segment_sum(msgs, dst, num_segments=x.shape[0])
    self_norm = deg_inv_sqrt * deg_inv_sqrt
    return agg + self_norm[:, None] * lin + b


def setup_inputs(seed: int = 0) -> dict:
    key = jax.random.key(seed)
    ks = jax.random.split(key, 8)
    x = jax.random.normal(ks[0], (N_NODES, D_IN), dtype=jnp.float32)
    edge_index = jax.random.randint(ks[1], (2, N_EDGES), 0, N_NODES, dtype=jnp.int32)
    W1 = _glorot(ks[2], D_IN, D_H1)
    b1 = jnp.zeros((D_H1,), dtype=jnp.float32)
    W2 = _glorot(ks[3], D_H1, D_H2)
    b2 = jnp.zeros((D_H2,), dtype=jnp.float32)
    W3 = _glorot(ks[4], D_H2, D_OUT)
    b3 = jnp.zeros((D_OUT,), dtype=jnp.float32)
    return {"x": x, "edge_index": edge_index, "W1": W1, "b1": b1, "W2": W2, "b2": b2, "W3": W3, "b3": b3}


def reference(x, edge_index, W1, b1, W2, b2, W3, b3):
    src = edge_index[0]
    dst = edge_index[1]
    n = x.shape[0]
    # degree with self-loops (edge weight 1 per edge, +1 for the self-loop)
    deg = jax.ops.segment_sum(jnp.ones((src.shape[0],), dtype=jnp.float32), dst, num_segments=n) + 1.0
    deg_inv_sqrt = jax.lax.rsqrt(deg)
    h = jax.nn.relu(gcn_conv(x, W1, b1, src, dst, deg_inv_sqrt))
    h = jax.nn.relu(gcn_conv(h, W2, b2, src, dst, deg_inv_sqrt))
    out = gcn_conv(h, W3, b3, src, dst, deg_inv_sqrt)
    return out

if __name__ == "__main__":
    import jax
    _d = setup_inputs()
    print(jax.jit(kernel)(*tuple(_d.values())))

</pallas_src>

<mosaic_0001>
#map = affine_map<(d0, d1) -> (0, 0)>
#map1 = affine_map<(d0, d1) -> (0, 0, 0)>
module attributes {stable_mosaic.version = 14 : i64} {
  func.func @_sc_scatter(%arg0: i32, %arg1: i32, %arg2: memref<20000x64xf32, #tpu.memory_space<hbm>>, %arg3: memref<2x2560x128xi32, #tpu.memory_space<hbm>>, %arg4: memref<2560x128xi32, #tpu.memory_space<hbm>>, %arg5: memref<2x10008x64xf32, #tpu.memory_space<hbm>>, %arg6: memref<160x128xi32, #tpu.memory_space<vmem>>, %arg7: memref<160x128xi32, #tpu.memory_space<vmem>>, %arg8: memref<128x64xf32, #tpu.memory_space<vmem>>, %arg9: memref<632x64xf32, #tpu.memory_space<vmem>>, %arg10: memref<10008x64xf32, #tpu.memory_space<vmem_shared>>, %arg11: memref<!tpu.dma_semaphore, #tpu.memory_space<semaphore_mem>>) attributes {dimension_semantics = [#tpu.dimension_semantics<core_parallel>, #tpu.dimension_semantics<subcore_parallel>], iteration_bounds = array<i64: 2, 16>, scalar_prefetch = 0 : i64, scratch_operands = 6 : i64, tpu.core_type = #tpu.core_type<sc_vector_subcore>, window_params = [{transform_indices = #map}, {transform_indices = #map1}, {transform_indices = #map}, {transform_indices = #map1}]} {
    %mul3A = arith.constant 160 : i32
    %mul3A_0 = arith.muli %arg1, %mul3A : i32
    "tpu.region"() ({
      %run_scoped3A = tpu.sem_alloc : memref<!tpu.dma_semaphore, #tpu.memory_space<semaphore_mem>>
      %dma_start3A = arith.constant 0 : i32
      %dma_start3A_20 = tpu.memref_slice %arg3[%arg0, %mul3A_0, %dma_start3A] : memref<2x2560x128xi32, #tpu.memory_space<hbm>> -> memref<1x160x128xi32, #tpu.memory_space<hbm>>
      %dma_start3A_21 = tpu.memref_squeeze %dma_start3A_20 : memref<1x160x128xi32, #tpu.memory_space<hbm>> -> memref<160x128xi32, #tpu.memory_space<hbm>>
      %dma_start3A_22 = arith.constant 0 : i32
      %dma_start3A_23 = tpu.memref_slice %arg3[%arg0, %mul3A_0, %dma_start3A_22] : memref<2x2560x128xi32, #tpu.memory_space<hbm>> -> memref<1x160x128xi32, #tpu.memory_space<hbm>>
      %dma_start3A_24 = tpu.memref_squeeze %dma_start3A_23 : memref<1x160x128xi32, #tpu.memory_space<hbm>> -> memref<160x128xi32, #tpu.memory_space<hbm>>
      tpu.enqueue_dma source(%dma_start3A_24 : memref<160x128xi32, #tpu.memory_space<hbm>>) target(%arg6 : memref<160x128xi32, #tpu.memory_space<vmem>>) target_semaphore(%run_scoped3A : memref<!tpu.dma_semaphore, #tpu.memory_space<semaphore_mem>>)
      %dma_wait3A = arith.constant 0 : i32
      %dma_wait3A_25 = tpu.memref_slice %arg3[%arg0, %mul3A_0, %dma_wait3A] : memref<2x2560x128xi32, #tpu.memory_space<hbm>> -> memref<1x160x128xi32, #tpu.memory_space<hbm>>
      %dma_wait3A_26 = tpu.memref_squeeze %dma_wait3A_25 : memref<1x160x128xi32, #tpu.memory_space<hbm>> -> memref<160x128xi32, #tpu.memory_space<hbm>>
      %dma_wait3A_27 = arith.constant 0 : i32
      %dma_wait3A_28 = tpu.memref_slice %arg3[%arg0, %mul3A_0, %dma_wait3A_27] : memref<2x2560x128xi32, #tpu.memory_space<hbm>> -> memref<1x160x128xi32, #tpu.memory_space<hbm>>
      %dma_wait3A_29 = tpu.memref_squeeze %dma_wait3A_28 : memref<1x160x128xi32, #tpu.memory_space<hbm>> -> memref<160x128xi32, #tpu.memory_space<hbm>>
      tpu.wait_dma2 semaphore(%run_scoped3A : memref<!tpu.dma_semaphore, #tpu.memory_space<semaphore_mem>>) src(%dma_wait3A_29 : memref<160x128xi32, #tpu.memory_space<hbm>>) dst(%arg6 : memref<160x128xi32, #tpu.memory_space<vmem>>)
      tpu.yield
    }) : () -> ()
    %mul3A_1 = arith.constant 160 : i32
    %mul3A_2 = arith.muli %arg1, %mul3A_1 : i32
    "tpu.region"() ({
      %run_scoped3A = tpu.sem_alloc : memref<!tpu.dma_semaphore, #tpu.memory_space<semaphore_mem>>
      %dma_start3A = arith.constant 0 : i32
      %dma_start3A_20 = tpu.memref_slice %arg4[%mul3A_2, %dma_start3A] : memref<2560x128xi32, #tpu.memory_space<hbm>> -> memref<160x128xi32, #tpu.memory_space<hbm>>
      %dma_start3A_21 = arith.constant 0 : i32
      %dma_start3A_22 = tpu.memref_slice %arg4[%mul3A_2, %dma_start3A_21] : memref<2560x128xi32, #tpu.memory_space<hbm>> -> memref<160x128xi32, #tpu.memory_space<hbm>>
      tpu.enqueue_dma source(%dma_start3A_22 : memref<160x128xi32, #tpu.memory_space<hbm>>) target(%arg7 : memref<160x128xi32, #tpu.memory_space<vmem>>) target_semaphore(%run_scoped3A : memref<!tpu.dma_semaphore, #tpu.memory_space<semaphore_mem>>)
      %dma_wait3A = arith.constant 0 : i32
      %dma_wait3A_23 = tpu.memref_slice %arg4[%mul3A_2, %dma_wait3A] : memref<2560x128xi32, #tpu.memory_space<hbm>> -> memref<160x128xi32, #tpu.memory_space<hbm>>
      %dma_wait3A_24 = arith.constant 0 : i32
      %dma_wait3A_25 = tpu.memref_slice %arg4[%mul3A_2, %dma_wait3A_24] : memref<2560x128xi32, #tpu.memory_space<hbm>> -> memref<160x128xi32, #tpu.memory_space<hbm>>
      tpu.wait_dma2 semaphore(%run_scoped3A : memref<!tpu.dma_semaphore, #tpu.memory_space<semaphore_mem>>) src(%dma_wait3A_25 : memref<160x128xi32, #tpu.memory_space<hbm>>) dst(%arg7 : memref<160x128xi32, #tpu.memory_space<vmem>>)
      tpu.yield
    }) : () -> ()
    %scan3A = arith.constant 0 : i32
    %scan3A_3 = arith.constant 0 : i32
    %scan3A_4 = arith.constant 632 : i32
    %scan3A_5 = arith.addi %scan3A_3, %scan3A_4 : i32
    %scan3A_6 = arith.constant 1 : i32
    %scan3A_7 = scf.for %scan3A_20 = %scan3A_3 to %scan3A_5 step %scan3A_6 iter_args(%scan3A_21 = %scan3A) -> (i32)  : i32 {
      %broadcast_in_dim3A = arith.constant 0.000000e+00 : f32
      %broadcast_in_dim3A_22 = vector.broadcast %broadcast_in_dim3A : f32 to vector<16xf32>
      %swap3A = arith.index_cast %scan3A_20 : i32 to index
      %swap3A_23 = arith.constant 0 : index
      %swap3A_24 = tpu.vector_load %arg9[%swap3A, %swap3A_23] {strides = array<i32>} : memref<632x64xf32, #tpu.memory_space<vmem>>, vector<1x16xf32>,
      %swap3A_25 = vector.shape_cast %swap3A_24 : vector<1x16xf32> to vector<16xf32>
      %swap3A_26 = vector.shape_cast %broadcast_in_dim3A_22 : vector<16xf32> to vector<1x16xf32>
      tpu.vector_store %arg9[%swap3A, %swap3A_23], %swap3A_26 {strides = array<i32>} : memref<632x64xf32, #tpu.memory_space<vmem>>, vector<1x16xf32>,
      %broadcast_in_dim3A_27 = arith.constant 0.000000e+00 : f32
      %broadcast_in_dim3A_28 = vector.broadcast %broadcast_in_dim3A_27 : f32 to vector<16xf32>
      %swap3A_29 = arith.index_cast %scan3A_20 : i32 to index
      %swap3A_30 = arith.constant 16 : index
      %swap3A_31 = tpu.vector_load %arg9[%swap3A_29, %swap3A_30] {strides = array<i32>} : memref<632x64xf32, #tpu.memory_space<vmem>>, vector<1x16xf32>,
      %swap3A_32 = vector.shape_cast %swap3A_31 : vector<1x16xf32> to vector<16xf32>
      %swap3A_33 = vector.shape_cast %broadcast_in_dim3A_28 : vector<16xf32> to vector<1x16xf32>
      tpu.vector_store %arg9[%swap3A_29, %swap3A_30], %swap3A_33 {strides = array<i32>} : memref<632x64xf32, #tpu.memory_space<vmem>>, vector<1x16xf32>,
      %broadcast_in_dim3A_34 = arith.constant 0.000000e+00 : f32
      %broadcast_in_dim3A_35 = vector.broadcast %broadcast_in_dim3A_34 : f32 to vector<16xf32>
      %swap3A_36 = arith.index_cast %scan3A_20 : i32 to index
      %swap3A_37 = arith.constant 32 : index
      %swap3A_38 = tpu.vector_load %arg9[%swap3A_36, %swap3A_37] {strides = array<i32>} : memref<632x64xf32, #tpu.memory_space<vmem>>, vector<1x16xf32>,
      %swap3A_39 = vector.shape_cast %swap3A_38 : vector<1x16xf32> to vector<16xf32>
      %swap3A_40 = vector.shape_cast %broadcast_in_dim3A_35 : vector<16xf32> to vector<1x16xf32>
      tpu.vector_store %arg9[%swap3A_36, %swap3A_37], %swap3A_40 {strides = array<i32>} : memref<632x64xf32, #tpu.memory_space<vmem>>, vector<1x16xf32>,
      %broadcast_in_dim3A_41 = arith.constant 0.000000e+00 : f32
      %broadcast_in_dim3A_42 = vector.broadcast %broadcast_in_dim3A_41 : f32 to vector<16xf32>
      %swap3A_43 = arith.index_cast %scan3A_20 : i32 to index
      %swap3A_44 = arith.constant 48 : index
      %swap3A_45 = tpu.vector_load %arg9[%swap3A_43, %swap3A_44] {strides = array<i32>} : memref<632x64xf32, #tpu.memory_space<vmem>>, vector<1x16xf32>,
      %swap3A_46 = vector.shape_cast %swap3A_45 : vector<1x16xf32> to vector<16xf32>
      %swap3A_47 = vector.shape_cast %broadcast_in_dim3A_42 : vector<16xf32> to vector<1x16xf32>
      tpu.vector_store %arg9[%swap3A_43, %swap3A_44], %swap3A_47 {strides = array<i32>} : memref<632x64xf32, #tpu.memory_space<vmem>>, vector<1x16xf32>,
      %scan3A_48 = arith.constant 0 : i32
      scf.yield %scan3A_48 : i32
    }
    %scan3A_8 = arith.constant 632 : i32
    %mul3A_9 = arith.constant 632 : i32
    %mul3A_10 = arith.muli %arg1, %mul3A_9 : i32
    %min3A = arith.constant 9376 : i32
    %min3A_11 = arith.minsi %mul3A_10, %min3A : i32
    %multiple_of3A = tpu.assume_multiple %min3A_11, 8 : i32
    "tpu.region"() ({
      %run_scoped3A = tpu.sem_alloc : memref<!tpu.dma_semaphore, #tpu.memory_space<semaphore_mem>>
      %dma_start3A = arith.constant 0 : i32
      %dma_start3A_20 = tpu.memref_slice %arg10[%multiple_of3A, %dma_start3A] : memref<10008x64xf32, #tpu.memory_space<vmem_shared>> -> memref<632x64xf32, #tpu.memory_space<vmem_shared>>
      %dma_start3A_21 = arith.constant 0 : i32
      %dma_start3A_22 = tpu.memref_slice %arg10[%multiple_of3A, %dma_start3A_21] : memref<10008x64xf32, #tpu.memory_space<vmem_shared>> -> memref<632x64xf32, #tpu.memory_space<vmem_shared>>
      tpu.enqueue_dma source(%arg9 : memref<632x64xf32, #tpu.memory_space<vmem>>) target(%dma_start3A_22 : memref<632x64xf32, #tpu.memory_space<vmem_shared>>) target_semaphore(%run_scoped3A : memref<!tpu.dma_semaphore, #tpu.memory_space<semaphore_mem>>)
      %dma_wait3A = arith.constant 0 : i32
      %dma_wait3A_23 = tpu.memref_slice %arg10[%multiple_of3A, %dma_wait3A] : memref<10008x64xf32, #tpu.memory_space<vmem_shared>> -> memref<632x64xf32, #tpu.memory_space<vmem_shared>>
      %dma_wait3A_24 = arith.constant 0 : i32
      %dma_wait3A_25 = tpu.memref_slice %arg10[%multiple_of3A, %dma_wait3A_24] : memref<10008x64xf32, #tpu.memory_space<vmem_shared>> -> memref<632x64xf32, #tpu.memory_space<vmem_shared>>
      tpu.wait_dma2 semaphore(%run_scoped3A : memref<!tpu.dma_semaphore, #tpu.memory_space<semaphore_mem>>) src(%arg9 : memref<632x64xf32, #tpu.memory_space<vmem>>) dst(%dma_wait3A_25 : memref<632x64xf32, #tpu.memory_space<vmem_shared>>)
      tpu.yield
    }) : () -> ()
    %barrier3A = arith.constant 0 : index
    tpu.barrier barrier_id(%barrier3A)
    %scan3A_12 = arith.constant 0 : i32
    %scan3A_13 = arith.constant 0 : i32
    %scan3A_14 = arith.constant 160 : i32
    %scan3A_15 = arith.addi %scan3A_13, %scan3A_14 : i32
    %scan3A_16 = arith.constant 1 : i32
    %scan3A_17 = scf.for %scan3A_20 = %scan3A_13 to %scan3A_15 step %scan3A_16 iter_args(%scan3A_21 = %scan3A_12) -> (i32)  : i32 {
      %dma_start3A = arith.constant 0 : i32
      %dma_start3A_22 = tpu.memref_slice %arg6[%scan3A_20, %dma_start3A] : memref<160x128xi32, #tpu.memory_space<vmem>> -> memref<1x128xi32, #tpu.memory_space<vmem>>
      %dma_start3A_23 = tpu.memref_squeeze %dma_start3A_22 : memref<1x128xi32, #tpu.memory_space<vmem>> -> memref<128xi32, #tpu.memory_space<vmem>>
      %dma_start3A_24 = arith.constant 0 : i32
      %dma_start3A_25 = arith.constant 0 : i32
      %dma_start3A_26 = tpu.memref_slice %arg2[%dma_start3A_24, %dma_start3A_25] : memref<20000x64xf32, #tpu.memory_space<hbm>> -> memref<20000x64xf32, #tpu.memory_space<hbm>>
      tpu.enqueue_indirect_dma source(%dma_start3A_26 : memref<20000x64xf32, #tpu.memory_space<hbm>>) target(%arg8 : memref<128x64xf32, #tpu.memory_space<vmem>>) offsets(%dma_start3A_23 : memref<128xi32, #tpu.memory_space<vmem>>) semaphore(%arg11 : memref<!tpu.dma_semaphore, #tpu.memory_space<semaphore_mem>>)
      %dma_wait3A = arith.constant 0 : i32
      %dma_wait3A_27 = tpu.memref_slice %arg6[%scan3A_20, %dma_wait3A] : memref<160x128xi32, #tpu.memory_space<vmem>> -> memref<1x128xi32, #tpu.memory_space<vmem>>
      %dma_wait3A_28 = tpu.memref_squeeze %dma_wait3A_27 : memref<1x128xi32, #tpu.memory_space<vmem>> -> memref<128xi32, #tpu.memory_space<vmem>>
      %dma_wait3A_29 = arith.constant 0 : i32
      %dma_wait3A_30 = arith.constant 0 : i32
      %dma_wait3A_31 = tpu.memref_slice %arg2[%dma_wait3A_29, %dma_wait3A_30] : memref<20000x64xf32, #tpu.memory_space<hbm>> -> memref<20000x64xf32, #tpu.memory_space<hbm>>
      tpu.wait_indirect_dma semaphore(%arg11 : memref<!tpu.dma_semaphore, #tpu.memory_space<semaphore_mem>>) src(%dma_wait3A_31 : memref<20000x64xf32, #tpu.memory_space<hbm>>) dst(%arg8 : memref<128x64xf32, #tpu.memory_space<vmem>>)
      "tpu.region"() ({
        %run_scoped3A = tpu.sem_alloc : memref<!tpu.dma_semaphore, #tpu.memory_space<semaphore_mem>>
        %dma_start3A_33 = arith.constant 0 : i32
        %dma_start3A_34 = tpu.memref_slice %arg7[%scan3A_20, %dma_start3A_33] : memref<160x128xi32, #tpu.memory_space<vmem>> -> memref<1x128xi32, #tpu.memory_space<vmem>>
        %dma_start3A_35 = tpu.memref_squeeze %dma_start3A_34 : memref<1x128xi32, #tpu.memory_space<vmem>> -> memref<128xi32, #tpu.memory_space<vmem>>
        %dma_start3A_36 = arith.constant 0 : i32
        %dma_start3A_37 = arith.constant 0 : i32
        %dma_start3A_38 = tpu.memref_slice %arg10[%dma_start3A_36, %dma_start3A_37] : memref<10008x64xf32, #tpu.memory_space<vmem_shared>> -> memref<10008x64xf32, #tpu.memory_space<vmem_shared>>
        tpu.enqueue_indirect_dma source(%arg8 : memref<128x64xf32, #tpu.memory_space<vmem>>) target(%dma_start3A_38 : memref<10008x64xf32, #tpu.memory_space<vmem_shared>>) offsets(%dma_start3A_35 : memref<128xi32, #tpu.memory_space<vmem>>) semaphore(%run_scoped3A : memref<!tpu.dma_semaphore, #tpu.memory_space<semaphore_mem>>) {add = true}
        %dma_wait3A_39 = arith.constant 0 : i32
        %dma_wait3A_40 = tpu.memref_slice %arg7[%scan3A_20, %dma_wait3A_39] : memref<160x128xi32, #tpu.memory_space<vmem>> -> memref<1x128xi32, #tpu.memory_space<vmem>>
        %dma_wait3A_41 = tpu.memref_squeeze %dma_wait3A_40 : memref<1x128xi32, #tpu.memory_space<vmem>> -> memref<128xi32, #tpu.memory_space<vmem>>
        %dma_wait3A_42 = arith.constant 0 : i32
        %dma_wait3A_43 = arith.constant 0 : i32
        %dma_wait3A_44 = tpu.memref_slice %arg10[%dma_wait3A_42, %dma_wait3A_43] : memref<10008x64xf32, #tpu.memory_space<vmem_shared>> -> memref<10008x64xf32, #tpu.memory_space<vmem_shared>>
        tpu.wait_indirect_dma semaphore(%run_scoped3A : memref<!tpu.dma_semaphore, #tpu.memory_space<semaphore_mem>>) src(%arg8 : memref<128x64xf32, #tpu.memory_space<vmem>>) dst(%dma_wait3A_44 : memref<10008x64xf32, #tpu.memory_space<vmem_shared>>)
        tpu.yield
      }) : () -> ()
      %scan3A_32 = arith.constant 0 : i32
      scf.yield %scan3A_32 : i32
    }
    %scan3A_18 = arith.constant 160 : i32
    %barrier3A_19 = arith.constant 0 : index
    tpu.barrier barrier_id(%barrier3A_19)
    "tpu.region"() ({
      %run_scoped3A = tpu.sem_alloc : memref<!tpu.dma_semaphore, #tpu.memory_space<semaphore_mem>>
      %dma_start3A = arith.constant 0 : i32
      %dma_start3A_20 = tpu.memref_slice %arg10[%multiple_of3A, %dma_start3A] : memref<10008x64xf32, #tpu.memory_space<vmem_shared>> -> memref<632x64xf32, #tpu.memory_space<vmem_shared>>
      %dma_start3A_21 = arith.constant 0 : i32
      %dma_start3A_22 = tpu.memref_slice %arg10[%multiple_of3A, %dma_start3A_21] : memref<10008x64xf32, #tpu.memory_space<vmem_shared>> -> memref<632x64xf32, #tpu.memory_space<vmem_shared>>
      tpu.enqueue_dma source(%dma_start3A_22 : memref<632x64xf32, #tpu.memory_space<vmem_shared>>) target(%arg9 : memref<632x64xf32, #tpu.memory_space<vmem>>) target_semaphore(%run_scoped3A : memref<!tpu.dma_semaphore, #tpu.memory_space<semaphore_mem>>)
      %dma_wait3A = arith.constant 0 : i32
      %dma_wait3A_23 = tpu.memref_slice %arg10[%multiple_of3A, %dma_wait3A] : memref<10008x64xf32, #tpu.memory_space<vmem_shared>> -> memref<632x64xf32, #tpu.memory_space<vmem_shared>>
      %dma_wait3A_24 = arith.constant 0 : i32
      %dma_wait3A_25 = tpu.memref_slice %arg10[%multiple_of3A, %dma_wait3A_24] : memref<10008x64xf32, #tpu.memory_space<vmem_shared>> -> memref<632x64xf32, #tpu.memory_space<vmem_shared>>
      tpu.wait_dma2 semaphore(%run_scoped3A : memref<!tpu.dma_semaphore, #tpu.memory_space<semaphore_mem>>) src(%dma_wait3A_25 : memref<632x64xf32, #tpu.memory_space<vmem_shared>>) dst(%arg9 : memref<632x64xf32, #tpu.memory_space<vmem>>)
      tpu.yield
    }) : () -> ()
    "tpu.region"() ({
      %run_scoped3A = tpu.sem_alloc : memref<!tpu.dma_semaphore, #tpu.memory_space<semaphore_mem>>
      %dma_start3A = arith.constant 0 : i32
      %dma_start3A_20 = tpu.memref_slice %arg5[%arg0, %multiple_of3A, %dma_start3A] : memref<2x10008x64xf32, #tpu.memory_space<hbm>> -> memref<1x632x64xf32, #tpu.memory_space<hbm>>
      %dma_start3A_21 = tpu.memref_squeeze %dma_start3A_20 : memref<1x632x64xf32, #tpu.memory_space<hbm>> -> memref<632x64xf32, #tpu.memory_space<hbm>>
      %dma_start3A_22 = arith.constant 0 : i32
      %dma_start3A_23 = tpu.memref_slice %arg5[%arg0, %multiple_of3A, %dma_start3A_22] : memref<2x10008x64xf32, #tpu.memory_space<hbm>> -> memref<1x632x64xf32, #tpu.memory_space<hbm>>
      %dma_start3A_24 = tpu.memref_squeeze %dma_start3A_23 : memref<1x632x64xf32, #tpu.memory_space<hbm>> -> memref<632x64xf32, #tpu.memory_space<hbm>>
      tpu.enqueue_dma source(%arg9 : memref<632x64xf32, #tpu.memory_space<vmem>>) target(%dma_start3A_24 : memref<632x64xf32, #tpu.memory_space<hbm>>) target_semaphore(%run_scoped3A : memref<!tpu.dma_semaphore, #tpu.memory_space<semaphore_mem>>)
      %dma_wait3A = arith.constant 0 : i32
      %dma_wait3A_25 = tpu.memref_slice %arg5[%arg0, %multiple_of3A, %dma_wait3A] : memref<2x10008x64xf32, #tpu.memory_space<hbm>> -> memref<1x632x64xf32, #tpu.memory_space<hbm>>
      %dma_wait3A_26 = tpu.memref_squeeze %dma_wait3A_25 : memref<1x632x64xf32, #tpu.memory_space<hbm>> -> memref<632x64xf32, #tpu.memory_space<hbm>>
      %dma_wait3A_27 = arith.constant 0 : i32
      %dma_wait3A_28 = tpu.memref_slice %arg5[%arg0, %multiple_of3A, %dma_wait3A_27] : memref<2x10008x64xf32, #tpu.memory_space<hbm>> -> memref<1x632x64xf32, #tpu.memory_space<hbm>>
      %dma_wait3A_29 = tpu.memref_squeeze %dma_wait3A_28 : memref<1x632x64xf32, #tpu.memory_space<hbm>> -> memref<632x64xf32, #tpu.memory_space<hbm>>
      tpu.wait_dma2 semaphore(%run_scoped3A : memref<!tpu.dma_semaphore, #tpu.memory_space<semaphore_mem>>) src(%arg9 : memref<632x64xf32, #tpu.memory_space<vmem>>) dst(%dma_wait3A_29 : memref<632x64xf32, #tpu.memory_space<hbm>>)
      tpu.yield
    }) : () -> ()
    return
  }
}

#map = affine_map<(d0, d1) -> (0, 0)>
#map1 = affine_map<(d0, d1) -> (0, 0, 0)>
module attributes {stable_mosaic.version = 14 : i64} {
  func.func @_sc_scatter(%arg0: i32, %arg1: i32, %arg2: memref<20000x64xf32, #tpu.memory_space<hbm>>, %arg3: memref<2x2560x128xi32, #tpu.memory_space<hbm>>, %arg4: memref<2560x128xi32, #tpu.memory_space<hbm>>, %arg5: memref<2x10008x64xf32, #tpu.memory_space<hbm>>, %arg6: memref<160x128xi32, #tpu.memory_space<vmem>>, %arg7: memref<160x128xi32, #tpu.memory_space<vmem>>, %arg8: memref<128x64xf32, #tpu.memory_space<vmem>>, %arg9: memref<632x64xf32, #tpu.memory_space<vmem>>, %arg10: memref<10008x64xf32, #tpu.memory_space<vmem_shared>>, %arg11: memref<!tpu.dma_semaphore, #tpu.memory_space<semaphore_mem>>) attributes {dimension_semantics = [#tpu.dimension_semantics<core_parallel>, #tpu.dimension_semantics<subcore_parallel>], iteration_bounds = array<i64: 2, 16>, scalar_prefetch = 0 : i64, scratch_operands = 6 : i64, tpu.core_type = #tpu.core_type<sc_vector_subcore>, window_params = [{transform_indices = #map}, {transform_indices = #map1}, {transform_indices = #map}, {transform_indices = #map1}]} {
    %mul3A = arith.constant 160 : i32
    %mul3A_0 = arith.muli %arg1, %mul3A : i32
    "tpu.region"() ({
      %run_scoped3A = tpu.sem_alloc : memref<!tpu.dma_semaphore, #tpu.memory_space<semaphore_mem>>
      %dma_start3A = arith.constant 0 : i32
      %dma_start3A_20 = tpu.memref_slice %arg3[%arg0, %mul3A_0, %dma_start3A] : memref<2x2560x128xi32, #tpu.memory_space<hbm>> -> memref<1x160x128xi32, #tpu.memory_space<hbm>>
      %dma_start3A_21 = tpu.memref_squeeze %dma_start3A_20 : memref<1x160x128xi32, #tpu.memory_space<hbm>> -> memref<160x128xi32, #tpu.memory_space<hbm>>
      %dma_start3A_22 = arith.constant 0 : i32
      %dma_start3A_23 = tpu.memref_slice %arg3[%arg0, %mul3A_0, %dma_start3A_22] : memref<2x2560x128xi32, #tpu.memory_space<hbm>> -> memref<1x160x128xi32, #tpu.memory_space<hbm>>
      %dma_start3A_24 = tpu.memref_squeeze %dma_start3A_23 : memref<1x160x128xi32, #tpu.memory_space<hbm>> -> memref<160x128xi32, #tpu.memory_space<hbm>>
      tpu.enqueue_dma source(%dma_start3A_24 : memref<160x128xi32, #tpu.memory_space<hbm>>) target(%arg6 : memref<160x128xi32, #tpu.memory_space<vmem>>) target_semaphore(%run_scoped3A : memref<!tpu.dma_semaphore, #tpu.memory_space<semaphore_mem>>)
      %dma_wait3A = arith.constant 0 : i32
      %dma_wait3A_25 = tpu.memref_slice %arg3[%arg0, %mul3A_0, %dma_wait3A] : memref<2x2560x128xi32, #tpu.memory_space<hbm>> -> memref<1x160x128xi32, #tpu.memory_space<hbm>>
      %dma_wait3A_26 = tpu.memref_squeeze %dma_wait3A_25 : memref<1x160x128xi32, #tpu.memory_space<hbm>> -> memref<160x128xi32, #tpu.memory_space<hbm>>
      %dma_wait3A_27 = arith.constant 0 : i32
      %dma_wait3A_28 = tpu.memref_slice %arg3[%arg0, %mul3A_0, %dma_wait3A_27] : memref<2x2560x128xi32, #tpu.memory_space<hbm>> -> memref<1x160x128xi32, #tpu.memory_space<hbm>>
      %dma_wait3A_29 = tpu.memref_squeeze %dma_wait3A_28 : memref<1x160x128xi32, #tpu.memory_space<hbm>> -> memref<160x128xi32, #tpu.memory_space<hbm>>
      tpu.wait_dma2 semaphore(%run_scoped3A : memref<!tpu.dma_semaphore, #tpu.memory_space<semaphore_mem>>) src(%dma_wait3A_29 : memref<160x128xi32, #tpu.memory_space<hbm>>) dst(%arg6 : memref<160x128xi32, #tpu.memory_space<vmem>>)
      tpu.yield
    }) : () -> ()
    %mul3A_1 = arith.constant 160 : i32
    %mul3A_2 = arith.muli %arg1, %mul3A_1 : i32
    "tpu.region"() ({
      %run_scoped3A = tpu.sem_alloc : memref<!tpu.dma_semaphore, #tpu.memory_space<semaphore_mem>>
      %dma_start3A = arith.constant 0 : i32
      %dma_start3A_20 = tpu.memref_slice %arg4[%mul3A_2, %dma_start3A] : memref<2560x128xi32, #tpu.memory_space<hbm>> -> memref<160x128xi32, #tpu.memory_space<hbm>>
      %dma_start3A_21 = arith.constant 0 : i32
      %dma_start3A_22 = tpu.memref_slice %arg4[%mul3A_2, %dma_start3A_21] : memref<2560x128xi32, #tpu.memory_space<hbm>> -> memref<160x128xi32, #tpu.memory_space<hbm>>
      tpu.enqueue_dma source(%dma_start3A_22 : memref<160x128xi32, #tpu.memory_space<hbm>>) target(%arg7 : memref<160x128xi32, #tpu.memory_space<vmem>>) target_semaphore(%run_scoped3A : memref<!tpu.dma_semaphore, #tpu.memory_space<semaphore_mem>>)
      %dma_wait3A = arith.constant 0 : i32
      %dma_wait3A_23 = tpu.memref_slice %arg4[%mul3A_2, %dma_wait3A] : memref<2560x128xi32, #tpu.memory_space<hbm>> -> memref<160x128xi32, #tpu.memory_space<hbm>>
      %dma_wait3A_24 = arith.constant 0 : i32
      %dma_wait3A_25 = tpu.memref_slice %arg4[%mul3A_2, %dma_wait3A_24] : memref<2560x128xi32, #tpu.memory_space<hbm>> -> memref<160x128xi32, #tpu.memory_space<hbm>>
      tpu.wait_dma2 semaphore(%run_scoped3A : memref<!tpu.dma_semaphore, #tpu.memory_space<semaphore_mem>>) src(%dma_wait3A_25 : memref<160x128xi32, #tpu.memory_space<hbm>>) dst(%arg7 : memref<160x128xi32, #tpu.memory_space<vmem>>)
      tpu.yield
    }) : () -> ()
    %scan3A = arith.constant 0 : i32
    %scan3A_3 = arith.constant 0 : i32
    %scan3A_4 = arith.constant 632 : i32
    %scan3A_5 = arith.addi %scan3A_3, %scan3A_4 : i32
    %scan3A_6 = arith.constant 1 : i32
    %scan3A_7 = scf.for %scan3A_20 = %scan3A_3 to %scan3A_5 step %scan3A_6 iter_args(%scan3A_21 = %scan3A) -> (i32)  : i32 {
      %broadcast_in_dim3A = arith.constant 0.000000e+00 : f32
      %broadcast_in_dim3A_22 = vector.broadcast %broadcast_in_dim3A : f32 to vector<16xf32>
      %swap3A = arith.index_cast %scan3A_20 : i32 to index
      %swap3A_23 = arith.constant 0 : index
      %swap3A_24 = tpu.vector_load %arg9[%swap3A, %swap3A_23] {strides = array<i32>} : memref<632x64xf32, #tpu.memory_space<vmem>>, vector<1x16xf32>,
      %swap3A_25 = vector.shape_cast %swap3A_24 : vector<1x16xf32> to vector<16xf32>
      %swap3A_26 = vector.shape_cast %broadcast_in_dim3A_22 : vector<16xf32> to vector<1x16xf32>
      tpu.vector_store %arg9[%swap3A, %swap3A_23], %swap3A_26 {strides = array<i32>} : memref<632x64xf32, #tpu.memory_space<vmem>>, vector<1x16xf32>,
      %broadcast_in_dim3A_27 = arith.constant 0.000000e+00 : f32
      %broadcast_in_dim3A_28 = vector.broadcast %broadcast_in_dim3A_27 : f32 to vector<16xf32>
      %swap3A_29 = arith.index_cast %scan3A_20 : i32 to index
      %swap3A_30 = arith.constant 16 : index
      %swap3A_31 = tpu.vector_load %arg9[%swap3A_29, %swap3A_30] {strides = array<i32>} : memref<632x64xf32, #tpu.memory_space<vmem>>, vector<1x16xf32>,
      %swap3A_32 = vector.shape_cast %swap3A_31 : vector<1x16xf32> to vector<16xf32>
      %swap3A_33 = vector.shape_cast %broadcast_in_dim3A_28 : vector<16xf32> to vector<1x16xf32>
      tpu.vector_store %arg9[%swap3A_29, %swap3A_30], %swap3A_33 {strides = array<i32>} : memref<632x64xf32, #tpu.memory_space<vmem>>, vector<1x16xf32>,
      %broadcast_in_dim3A_34 = arith.constant 0.000000e+00 : f32
      %broadcast_in_dim3A_35 = vector.broadcast %broadcast_in_dim3A_34 : f32 to vector<16xf32>
      %swap3A_36 = arith.index_cast %scan3A_20 : i32 to index
      %swap3A_37 = arith.constant 32 : index
      %swap3A_38 = tpu.vector_load %arg9[%swap3A_36, %swap3A_37] {strides = array<i32>} : memref<632x64xf32, #tpu.memory_space<vmem>>, vector<1x16xf32>,
      %swap3A_39 = vector.shape_cast %swap3A_38 : vector<1x16xf32> to vector<16xf32>
      %swap3A_40 = vector.shape_cast %broadcast_in_dim3A_35 : vector<16xf32> to vector<1x16xf32>
      tpu.vector_store %arg9[%swap3A_36, %swap3A_37], %swap3A_40 {strides = array<i32>} : memref<632x64xf32, #tpu.memory_space<vmem>>, vector<1x16xf32>,
      %broadcast_in_dim3A_41 = arith.constant 0.000000e+00 : f32
      %broadcast_in_dim3A_42 = vector.broadcast %broadcast_in_dim3A_41 : f32 to vector<16xf32>
      %swap3A_43 = arith.index_cast %scan3A_20 : i32 to index
      %swap3A_44 = arith.constant 48 : index
      %swap3A_45 = tpu.vector_load %arg9[%swap3A_43, %swap3A_44] {strides = array<i32>} : memref<632x64xf32, #tpu.memory_space<vmem>>, vector<1x16xf32>,
      %swap3A_46 = vector.shape_cast %swap3A_45 : vector<1x16xf32> to vector<16xf32>
      %swap3A_47 = vector.shape_cast %broadcast_in_dim3A_42 : vector<16xf32> to vector<1x16xf32>
      tpu.vector_store %arg9[%swap3A_43, %swap3A_44], %swap3A_47 {strides = array<i32>} : memref<632x64xf32, #tpu.memory_space<vmem>>, vector<1x16xf32>,
      %scan3A_48 = arith.constant 0 : i32
      scf.yield %scan3A_48 : i32
    }
    %scan3A_8 = arith.constant 632 : i32
    %mul3A_9 = arith.constant 632 : i32
    %mul3A_10 = arith.muli %arg1, %mul3A_9 : i32
    %min3A = arith.constant 9376 : i32
    %min3A_11 = arith.minsi %mul3A_10, %min3A : i32
    %multiple_of3A = tpu.assume_multiple %min3A_11, 8 : i32
    "tpu.region"() ({
      %run_scoped3A = tpu.sem_alloc : memref<!tpu.dma_semaphore, #tpu.memory_space<semaphore_mem>>
      %dma_start3A = arith.constant 0 : i32
      %dma_start3A_20 = tpu.memref_slice %arg10[%multiple_of3A, %dma_start3A] : memref<10008x64xf32, #tpu.memory_space<vmem_shared>> -> memref<632x64xf32, #tpu.memory_space<vmem_shared>>
      %dma_start3A_21 = arith.constant 0 : i32
      %dma_start3A_22 = tpu.memref_slice %arg10[%multiple_of3A, %dma_start3A_21] : memref<10008x64xf32, #tpu.memory_space<vmem_shared>> -> memref<632x64xf32, #tpu.memory_space<vmem_shared>>
      tpu.enqueue_dma source(%arg9 : memref<632x64xf32, #tpu.memory_space<vmem>>) target(%dma_start3A_22 : memref<632x64xf32, #tpu.memory_space<vmem_shared>>) target_semaphore(%run_scoped3A : memref<!tpu.dma_semaphore, #tpu.memory_space<semaphore_mem>>)
      %dma_wait3A = arith.constant 0 : i32
      %dma_wait3A_23 = tpu.memref_slice %arg10[%multiple_of3A, %dma_wait3A] : memref<10008x64xf32, #tpu.memory_space<vmem_shared>> -> memref<632x64xf32, #tpu.memory_space<vmem_shared>>
      %dma_wait3A_24 = arith.constant 0 : i32
      %dma_wait3A_25 = tpu.memref_slice %arg10[%multiple_of3A, %dma_wait3A_24] : memref<10008x64xf32, #tpu.memory_space<vmem_shared>> -> memref<632x64xf32, #tpu.memory_space<vmem_shared>>
      tpu.wait_dma2 semaphore(%run_scoped3A : memref<!tpu.dma_semaphore, #tpu.memory_space<semaphore_mem>>) src(%arg9 : memref<632x64xf32, #tpu.memory_space<vmem>>) dst(%dma_wait3A_25 : memref<632x64xf32, #tpu.memory_space<vmem_shared>>)
      tpu.yield
    }) : () -> ()
    %barrier3A = arith.constant 0 : index
    tpu.barrier barrier_id(%barrier3A)
    %scan3A_12 = arith.constant 0 : i32
    %scan3A_13 = arith.constant 0 : i32
    %scan3A_14 = arith.constant 160 : i32
    %scan3A_15 = arith.addi %scan3A_13, %scan3A_14 : i32
    %scan3A_16 = arith.constant 1 : i32
    %scan3A_17 = scf.for %scan3A_20 = %scan3A_13 to %scan3A_15 step %scan3A_16 iter_args(%scan3A_21 = %scan3A_12) -> (i32)  : i32 {
      %dma_start3A = arith.constant 0 : i32
      %dma_start3A_22 = tpu.memref_slice %arg6[%scan3A_20, %dma_start3A] : memref<160x128xi32, #tpu.memory_space<vmem>> -> memref<1x128xi32, #tpu.memory_space<vmem>>
      %dma_start3A_23 = tpu.memref_squeeze %dma_start3A_22 : memref<1x128xi32, #tpu.memory_space<vmem>> -> memref<128xi32, #tpu.memory_space<vmem>>
      %dma_start3A_24 = arith.constant 0 : i32
      %dma_start3A_25 = arith.constant 0 : i32
      %dma_start3A_26 = tpu.memref_slice %arg2[%dma_start3A_24, %dma_start3A_25] : memref<20000x64xf32, #tpu.memory_space<hbm>> -> memref<20000x64xf32, #tpu.memory_space<hbm>>
      tpu.enqueue_indirect_dma source(%dma_start3A_26 : memref<20000x64xf32, #tpu.memory_space<hbm>>) target(%arg8 : memref<128x64xf32, #tpu.memory_space<vmem>>) offsets(%dma_start3A_23 : memref<128xi32, #tpu.memory_space<vmem>>) semaphore(%arg11 : memref<!tpu.dma_semaphore, #tpu.memory_space<semaphore_mem>>)
      %dma_wait3A = arith.constant 0 : i32
      %dma_wait3A_27 = tpu.memref_slice %arg6[%scan3A_20, %dma_wait3A] : memref<160x128xi32, #tpu.memory_space<vmem>> -> memref<1x128xi32, #tpu.memory_space<vmem>>
      %dma_wait3A_28 = tpu.memref_squeeze %dma_wait3A_27 : memref<1x128xi32, #tpu.memory_space<vmem>> -> memref<128xi32, #tpu.memory_space<vmem>>
      %dma_wait3A_29 = arith.constant 0 : i32
      %dma_wait3A_30 = arith.constant 0 : i32
      %dma_wait3A_31 = tpu.memref_slice %arg2[%dma_wait3A_29, %dma_wait3A_30] : memref<20000x64xf32, #tpu.memory_space<hbm>> -> memref<20000x64xf32, #tpu.memory_space<hbm>>
      tpu.wait_indirect_dma semaphore(%arg11 : memref<!tpu.dma_semaphore, #tpu.memory_space<semaphore_mem>>) src(%dma_wait3A_31 : memref<20000x64xf32, #tpu.memory_space<hbm>>) dst(%arg8 : memref<128x64xf32, #tpu.memory_space<vmem>>)
      "tpu.region"() ({
        %run_scoped3A = tpu.sem_alloc : memref<!tpu.dma_semaphore, #tpu.memory_space<semaphore_mem>>
        %dma_start3A_33 = arith.constant 0 : i32
        %dma_start3A_34 = tpu.memref_slice %arg7[%scan3A_20, %dma_start3A_33] : memref<160x128xi32, #tpu.memory_space<vmem>> -> memref<1x128xi32, #tpu.memory_space<vmem>>
        %dma_start3A_35 = tpu.memref_squeeze %dma_start3A_34 : memref<1x128xi32, #tpu.memory_space<vmem>> -> memref<128xi32, #tpu.memory_space<vmem>>
        %dma_start3A_36 = arith.constant 0 : i32
        %dma_start3A_37 = arith.constant 0 : i32
        %dma_start3A_38 = tpu.memref_slice %arg10[%dma_start3A_36, %dma_start3A_37] : memref<10008x64xf32, #tpu.memory_space<vmem_shared>> -> memref<10008x64xf32, #tpu.memory_space<vmem_shared>>
        tpu.enqueue_indirect_dma source(%arg8 : memref<128x64xf32, #tpu.memory_space<vmem>>) target(%dma_start3A_38 : memref<10008x64xf32, #tpu.memory_space<vmem_shared>>) offsets(%dma_start3A_35 : memref<128xi32, #tpu.memory_space<vmem>>) semaphore(%run_scoped3A : memref<!tpu.dma_semaphore, #tpu.memory_space<semaphore_mem>>) {add = true}
        %dma_wait3A_39 = arith.constant 0 : i32
        %dma_wait3A_40 = tpu.memref_slice %arg7[%scan3A_20, %dma_wait3A_39] : memref<160x128xi32, #tpu.memory_space<vmem>> -> memref<1x128xi32, #tpu.memory_space<vmem>>
        %dma_wait3A_41 = tpu.memref_squeeze %dma_wait3A_40 : memref<1x128xi32, #tpu.memory_space<vmem>> -> memref<128xi32, #tpu.memory_space<vmem>>
        %dma_wait3A_42 = arith.constant 0 : i32
        %dma_wait3A_43 = arith.constant 0 : i32
        %dma_wait3A_44 = tpu.memref_slice %arg10[%dma_wait3A_42, %dma_wait3A_43] : memref<10008x64xf32, #tpu.memory_space<vmem_shared>> -> memref<10008x64xf32, #tpu.memory_space<vmem_shared>>
        tpu.wait_indirect_dma semaphore(%run_scoped3A : memref<!tpu.dma_semaphore, #tpu.memory_space<semaphore_mem>>) src(%arg8 : memref<128x64xf32, #tpu.memory_space<vmem>>) dst(%dma_wait3A_44 : memref<10008x64xf32, #tpu.memory_space<vmem_shared>>)
        tpu.yield
      }) : () -> ()
      %scan3A_32 = arith.constant 0 : i32
      scf.yield %scan3A_32 : i32
    }
    %scan3A_18 = arith.constant 160 : i32
    %barrier3A_19 = arith.constant 0 : index
    tpu.barrier barrier_id(%barrier3A_19)
    "tpu.region"() ({
      %run_scoped3A = tpu.sem_alloc : memref<!tpu.dma_semaphore, #tpu.memory_space<semaphore_mem>>
      %dma_start3A = arith.constant 0 : i32
      %dma_start3A_20 = tpu.memref_slice %arg10[%multiple_of3A, %dma_start3A] : memref<10008x64xf32, #tpu.memory_space<vmem_shared>> -> memref<632x64xf32, #tpu.memory_space<vmem_shared>>
      %dma_start3A_21 = arith.constant 0 : i32
      %dma_start3A_22 = tpu.memref_slice %arg10[%multiple_of3A, %dma_start3A_21] : memref<10008x64xf32, #tpu.memory_space<vmem_shared>> -> memref<632x64xf32, #tpu.memory_space<vmem_shared>>
      tpu.enqueue_dma source(%dma_start3A_22 : memref<632x64xf32, #tpu.memory_space<vmem_shared>>) target(%arg9 : memref<632x64xf32, #tpu.memory_space<vmem>>) target_semaphore(%run_scoped3A : memref<!tpu.dma_semaphore, #tpu.memory_space<semaphore_mem>>)
      %dma_wait3A = arith.constant 0 : i32
      %dma_wait3A_23 = tpu.memref_slice %arg10[%multiple_of3A, %dma_wait3A] : memref<10008x64xf32, #tpu.memory_space<vmem_shared>> -> memref<632x64xf32, #tpu.memory_space<vmem_shared>>
      %dma_wait3A_24 = arith.constant 0 : i32
      %dma_wait3A_25 = tpu.memref_slice %arg10[%multiple_of3A, %dma_wait3A_24] : memref<10008x64xf32, #tpu.memory_space<vmem_shared>> -> memref<632x64xf32, #tpu.memory_space<vmem_shared>>
      tpu.wait_dma2 semaphore(%run_scoped3A : memref<!tpu.dma_semaphore, #tpu.memory_space<semaphore_mem>>) src(%dma_wait3A_25 : memref<632x64xf32, #tpu.memory_space<vmem_shared>>) dst(%arg9 : memref<632x64xf32, #tpu.memory_space<vmem>>)
      tpu.yield
    }) : () -> ()
    "tpu.region"() ({
      %run_scoped3A = tpu.sem_alloc : memref<!tpu.dma_semaphore, #tpu.memory_space<semaphore_mem>>
      %dma_start3A = arith.constant 0 : i32
      %dma_start3A_20 = tpu.memref_slice %arg5[%arg0, %multiple_of3A, %dma_start3A] : memref<2x10008x64xf32, #tpu.memory_space<hbm>> -> memref<1x632x64xf32, #tpu.memory_space<hbm>>
      %dma_start3A_21 = tpu.memref_squeeze %dma_start3A_20 : memref<1x632x64xf32, #tpu.memory_space<hbm>> -> memref<632x64xf32, #tpu.memory_space<hbm>>
      %dma_start3A_22 = arith.constant 0 : i32
      %dma_start3A_23 = tpu.memref_slice %arg5[%arg0, %multiple_of3A, %dma_start3A_22] : memref<2x10008x64xf32, #tpu.memory_space<hbm>> -> memref<1x632x64xf32, #tpu.memory_space<hbm>>
      %dma_start3A_24 = tpu.memref_squeeze %dma_start3A_23 : memref<1x632x64xf32, #tpu.memory_space<hbm>> -> memref<632x64xf32, #tpu.memory_space<hbm>>
      tpu.enqueue_dma source(%arg9 : memref<632x64xf32, #tpu.memory_space<vmem>>) target(%dma_start3A_24 : memref<632x64xf32, #tpu.memory_space<hbm>>) target_semaphore(%run_scoped3A : memref<!tpu.dma_semaphore, #tpu.memory_space<semaphore_mem>>)
      %dma_wait3A = arith.constant 0 : i32
      %dma_wait3A_25 = tpu.memref_slice %arg5[%arg0, %multiple_of3A, %dma_wait3A] : memref<2x10008x64xf32, #tpu.memory_space<hbm>> -> memref<1x632x64xf32, #tpu.memory_space<hbm>>
      %dma_wait3A_26 = tpu.memref_squeeze %dma_wait3A_25 : memref<1x632x64xf32, #tpu.memory_space<hbm>> -> memref<632x64xf32, #tpu.memory_space<hbm>>
      %dma_wait3A_27 = arith.constant 0 : i32
      %dma_wait3A_28 = tpu.memref_slice %arg5[%arg0, %multiple_of3A, %dma_wait3A_27] : memref<2x10008x64xf32, #tpu.memory_space<hbm>> -> memref<1x632x64xf32, #tpu.memory_space<hbm>>
      %dma_wait3A_29 = tpu.memref_squeeze %dma_wait3A_28 : memref<1x632x64xf32, #tpu.memory_space<hbm>> -> memref<632x64xf32, #tpu.memory_space<hbm>>
      tpu.wait_dma2 semaphore(%run_scoped3A : memref<!tpu.dma_semaphore, #tpu.memory_space<semaphore_mem>>) src(%arg9 : memref<632x64xf32, #tpu.memory_space<vmem>>) dst(%dma_wait3A_29 : memref<632x64xf32, #tpu.memory_space<hbm>>)
      tpu.yield
    }) : () -> ()
    return
  }
}

#map = affine_map<(d0, d1) -> (0, 0)>
#map1 = affine_map<(d0, d1) -> (0, 0, 0)>
module attributes {stable_mosaic.version = 14 : i64} {
  func.func @_sc_degree(%arg0: i32, %arg1: i32, %arg2: memref<2560x128xi32, #tpu.memory_space<hbm>>, %arg3: memref<2x10008x8xf32, #tpu.memory_space<hbm>>, %arg4: memref<80x128xi32, #tpu.memory_space<vmem>>, %arg5: memref<128x8xf32, #tpu.memory_space<vmem>>, %arg6: memref<632x8xf32, #tpu.memory_space<vmem>>, %arg7: memref<10008x8xf32, #tpu.memory_space<vmem_shared>>) attributes {dimension_semantics = [#tpu.dimension_semantics<core_parallel>, #tpu.dimension_semantics<subcore_parallel>], iteration_bounds = array<i64: 2, 16>, scalar_prefetch = 0 : i64, scratch_operands = 4 : i64, tpu.core_type = #tpu.core_type<sc_vector_subcore>, window_params = [{transform_indices = #map}, {transform_indices = #map1}]} {
    %mul3A = arith.constant 16 : i32
    %mul3A_0 = arith.muli %arg0, %mul3A : i32
    %add3A = arith.addi %mul3A_0, %arg1 : i32
    %mul3A_1 = arith.constant 80 : i32
    %mul3A_2 = arith.muli %add3A, %mul3A_1 : i32
    "tpu.region"() ({
      %run_scoped3A = tpu.sem_alloc : memref<!tpu.dma_semaphore, #tpu.memory_space<semaphore_mem>>
      %dma_start3A = arith.constant 0 : i32
      %dma_start3A_27 = tpu.memref_slice %arg2[%mul3A_2, %dma_start3A] : memref<2560x128xi32, #tpu.memory_space<hbm>> -> memref<80x128xi32, #tpu.memory_space<hbm>>
      %dma_start3A_28 = arith.constant 0 : i32
      %dma_start3A_29 = tpu.memref_slice %arg2[%mul3A_2, %dma_start3A_28] : memref<2560x128xi32, #tpu.memory_space<hbm>> -> memref<80x128xi32, #tpu.memory_space<hbm>>
      tpu.enqueue_dma source(%dma_start3A_29 : memref<80x128xi32, #tpu.memory_space<hbm>>) target(%arg4 : memref<80x128xi32, #tpu.memory_space<vmem>>) target_semaphore(%run_scoped3A : memref<!tpu.dma_semaphore, #tpu.memory_space<semaphore_mem>>)
      %dma_wait3A = arith.constant 0 : i32
      %dma_wait3A_30 = tpu.memref_slice %arg2[%mul3A_2, %dma_wait3A] : memref<2560x128xi32, #tpu.memory_space<hbm>> -> memref<80x128xi32, #tpu.memory_space<hbm>>
      %dma_wait3A_31 = arith.constant 0 : i32
      %dma_wait3A_32 = tpu.memref_slice %arg2[%mul3A_2, %dma_wait3A_31] : memref<2560x128xi32, #tpu.memory_space<hbm>> -> memref<80x128xi32, #tpu.memory_space<hbm>>
      tpu.wait_dma2 semaphore(%run_scoped3A : memref<!tpu.dma_semaphore, #tpu.memory_space<semaphore_mem>>) src(%dma_wait3A_32 : memref<80x128xi32, #tpu.memory_space<hbm>>) dst(%arg4 : memref<80x128xi32, #tpu.memory_space<vmem>>)
      tpu.yield
    }) : () -> ()
    %scan3A = arith.constant 0 : i32
    %scan3A_3 = arith.constant 0 : i32
    %scan3A_4 = arith.constant 632 : i32
    %scan3A_5 = arith.addi %scan3A_3, %scan3A_4 : i32
    %scan3A_6 = arith.constant 1 : i32
    %scan3A_7 = scf.for %scan3A_27 = %scan3A_3 to %scan3A_5 step %scan3A_6 iter_args(%scan3A_28 = %scan3A) -> (i32)  : i32 {
      %broadcast_in_dim3A = arith.constant 0.000000e+00 : f32
      %broadcast_in_dim3A_29 = vector.broadcast %broadcast_in_dim3A : f32 to vector<8xf32>
      %swap3A = arith.index_cast %scan3A_27 : i32 to index
      %swap3A_30 = arith.constant 0 : index
      %swap3A_31 = tpu.vector_load %arg6[%swap3A, %swap3A_30] {strides = array<i32>} : memref<632x8xf32, #tpu.memory_space<vmem>>, vector<1x8xf32>,
      %swap3A_32 = vector.shape_cast %swap3A_31 : vector<1x8xf32> to vector<8xf32>
      %swap3A_33 = vector.shape_cast %broadcast_in_dim3A_29 : vector<8xf32> to vector<1x8xf32>
      tpu.vector_store %arg6[%swap3A, %swap3A_30], %swap3A_33 {strides = array<i32>} : memref<632x8xf32, #tpu.memory_space<vmem>>, vector<1x8xf32>,
      %scan3A_34 = arith.constant 0 : i32
      scf.yield %scan3A_34 : i32
    }
    %scan3A_8 = arith.constant 632 : i32
    %scan3A_9 = arith.constant 0 : i32
    %scan3A_10 = arith.constant 0 : i32
    %scan3A_11 = arith.constant 128 : i32
    %scan3A_12 = arith.addi %scan3A_10, %scan3A_11 : i32
    %scan3A_13 = arith.constant 1 : i32
    %scan3A_14 = scf.for %scan3A_27 = %scan3A_10 to %scan3A_12 step %scan3A_13 iter_args(%scan3A_28 = %scan3A_9) -> (i32)  : i32 {
      %broadcast_in_dim3A = arith.constant 1.000000e+00 : f32
      %broadcast_in_dim3A_29 = vector.broadcast %broadcast_in_dim3A : f32 to vector<8xf32>
      %swap3A = arith.index_cast %scan3A_27 : i32 to index
      %swap3A_30 = arith.constant 0 : index
      %swap3A_31 = tpu.vector_load %arg5[%swap3A, %swap3A_30] {strides = array<i32>} : memref<128x8xf32, #tpu.memory_space<vmem>>, vector<1x8xf32>,
      %swap3A_32 = vector.shape_cast %swap3A_31 : vector<1x8xf32> to vector<8xf32>
      %swap3A_33 = vector.shape_cast %broadcast_in_dim3A_29 : vector<8xf32> to vector<1x8xf32>
      tpu.vector_store %arg5[%swap3A, %swap3A_30], %swap3A_33 {strides = array<i32>} : memref<128x8xf32, #tpu.memory_space<vmem>>, vector<1x8xf32>,
      %scan3A_34 = arith.constant 0 : i32
      scf.yield %scan3A_34 : i32
    }
    %scan3A_15 = arith.constant 128 : i32
    %mul3A_16 = arith.constant 632 : i32
    %mul3A_17 = arith.muli %arg1, %mul3A_16 : i32
    %min3A = arith.constant 9376 : i32
    %min3A_18 = arith.minsi %mul3A_17, %min3A : i32
    %multiple_of3A = tpu.assume_multiple %min3A_18, 8 : i32
    "tpu.region"() ({
      %run_scoped3A = tpu.sem_alloc : memref<!tpu.dma_semaphore, #tpu.memory_space<semaphore_mem>>
      %dma_start3A = arith.constant 0 : i32
      %dma_start3A_27 = tpu.memref_slice %arg7[%multiple_of3A, %dma_start3A] : memref<10008x8xf32, #tpu.memory_space<vmem_shared>> -> memref<632x8xf32, #tpu.memory_space<vmem_shared>>
      %dma_start3A_28 = arith.constant 0 : i32
      %dma_start3A_29 = tpu.memref_slice %arg7[%multiple_of3A, %dma_start3A_28] : memref<10008x8xf32, #tpu.memory_space<vmem_shared>> -> memref<632x8xf32, #tpu.memory_space<vmem_shared>>
      tpu.enqueue_dma source(%arg6 : memref<632x8xf32, #tpu.memory_space<vmem>>) target(%dma_start3A_29 : memref<632x8xf32, #tpu.memory_space<vmem_shared>>) target_semaphore(%run_scoped3A : memref<!tpu.dma_semaphore, #tpu.memory_space<semaphore_mem>>)
      %dma_wait3A = arith.constant 0 : i32
      %dma_wait3A_30 = tpu.memref_slice %arg7[%multiple_of3A, %dma_wait3A] : memref<10008x8xf32, #tpu.memory_space<vmem_shared>> -> memref<632x8xf32, #tpu.memory_space<vmem_shared>>
      %dma_wait3A_31 = arith.constant 0 : i32
      %dma_wait3A_32 = tpu.memref_slice %arg7[%multiple_of3A, %dma_wait3A_31] : memref<10008x8xf32, #tpu.memory_space<vmem_shared>> -> memref<632x8xf32, #tpu.memory_space<vmem_shared>>
      tpu.wait_dma2 semaphore(%run_scoped3A : memref<!tpu.dma_semaphore, #tpu.memory_space<semaphore_mem>>) src(%arg6 : memref<632x8xf32, #tpu.memory_space<vmem>>) dst(%dma_wait3A_32 : memref<632x8xf32, #tpu.memory_space<vmem_shared>>)
      tpu.yield
    }) : () -> ()
    %barrier3A = arith.constant 0 : index
    tpu.barrier barrier_id(%barrier3A)
    %scan3A_19 = arith.constant 0 : i32
    %scan3A_20 = arith.constant 0 : i32
    %scan3A_21 = arith.constant 80 : i32
    %scan3A_22 = arith.addi %scan3A_20, %scan3A_21 : i32
    %scan3A_23 = arith.constant 1 : i32
    %scan3A_24 = scf.for %scan3A_27 = %scan3A_20 to %scan3A_22 step %scan3A_23 iter_args(%scan3A_28 = %scan3A_19) -> (i32)  : i32 {
      "tpu.region"() ({
        %run_scoped3A = tpu.sem_alloc : memref<!tpu.dma_semaphore, #tpu.memory_space<semaphore_mem>>
        %dma_start3A = arith.constant 0 : i32
        %dma_start3A_30 = tpu.memref_slice %arg4[%scan3A_27, %dma_start3A] : memref<80x128xi32, #tpu.memory_space<vmem>> -> memref<1x128xi32, #tpu.memory_space<vmem>>
        %dma_start3A_31 = tpu.memref_squeeze %dma_start3A_30 : memref<1x128xi32, #tpu.memory_space<vmem>> -> memref<128xi32, #tpu.memory_space<vmem>>
        %dma_start3A_32 = arith.constant 0 : i32
        %dma_start3A_33 = arith.constant 0 : i32
        %dma_start3A_34 = tpu.memref_slice %arg7[%dma_start3A_32, %dma_start3A_33] : memref<10008x8xf32, #tpu.memory_space<vmem_shared>> -> memref<10008x8xf32, #tpu.memory_space<vmem_shared>>
        tpu.enqueue_indirect_dma source(%arg5 : memref<128x8xf32, #tpu.memory_space<vmem>>) target(%dma_start3A_34 : memref<10008x8xf32, #tpu.memory_space<vmem_shared>>) offsets(%dma_start3A_31 : memref<128xi32, #tpu.memory_space<vmem>>) semaphore(%run_scoped3A : memref<!tpu.dma_semaphore, #tpu.memory_space<semaphore_mem>>) {add = true}
        %dma_wait3A = arith.constant 0 : i32
        %dma_wait3A_35 = tpu.memref_slice %arg4[%scan3A_27, %dma_wait3A] : memref<80x128xi32, #tpu.memory_space<vmem>> -> memref<1x128xi32, #tpu.memory_space<vmem>>
        %dma_wait3A_36 = tpu.memref_squeeze %dma_wait3A_35 : memref<1x128xi32, #tpu.memory_space<vmem>> -> memref<128xi32, #tpu.memory_space<vmem>>
        %dma_wait3A_37 = arith.constant 0 : i32
        %dma_wait3A_38 = arith.constant 0 : i32
        %dma_wait3A_39 = tpu.memref_slice %arg7[%dma_wait3A_37, %dma_wait3A_38] : memref<10008x8xf32, #tpu.memory_space<vmem_shared>> -> memref<10008x8xf32, #tpu.memory_space<vmem_shared>>
        tpu.wait_indirect_dma semaphore(%run_scoped3A : memref<!tpu.dma_semaphore, #tpu.memory_space<semaphore_mem>>) src(%arg5 : memref<128x8xf32, #tpu.memory_space<vmem>>) dst(%dma_wait3A_39 : memref<10008x8xf32, #tpu.memory_space<vmem_shared>>)
        tpu.yield
      }) : () -> ()
      %scan3A_29 = arith.constant 0 : i32
      scf.yield %scan3A_29 : i32
    }
    %scan3A_25 = arith.constant 80 : i32
    %barrier3A_26 = arith.constant 0 : index
    tpu.barrier barrier_id(%barrier3A_26)
    "tpu.region"() ({
      %run_scoped3A = tpu.sem_alloc : memref<!tpu.dma_semaphore, #tpu.memory_space<semaphore_mem>>
      %dma_start3A = arith.constant 0 : i32
      %dma_start3A_27 = tpu.memref_slice %arg7[%multiple_of3A, %dma_start3A] : memref<10008x8xf32, #tpu.memory_space<vmem_shared>> -> memref<632x8xf32, #tpu.memory_space<vmem_shared>>
      %dma_start3A_28 = arith.constant 0 : i32
      %dma_start3A_29 = tpu.memref_slice %arg7[%multiple_of3A, %dma_start3A_28] : memref<10008x8xf32, #tpu.memory_space<vmem_shared>> -> memref<632x8xf32, #tpu.memory_space<vmem_shared>>
      tpu.enqueue_dma source(%dma_start3A_29 : memref<632x8xf32, #tpu.memory_space<vmem_shared>>) target(%arg6 : memref<632x8xf32, #tpu.memory_space<vmem>>) target_semaphore(%run_scoped3A : memref<!tpu.dma_semaphore, #tpu.memory_space<semaphore_mem>>)
      %dma_wait3A = arith.constant 0 : i32
      %dma_wait3A_30 = tpu.memref_slice %arg7[%multiple_of3A, %dma_wait3A] : memref<10008x8xf32, #tpu.memory_space<vmem_shared>> -> memref<632x8xf32, #tpu.memory_space<vmem_shared>>
      %dma_wait3A_31 = arith.constant 0 : i32
      %dma_wait3A_32 = tpu.memref_slice %arg7[%multiple_of3A, %dma_wait3A_31] : memref<10008x8xf32, #tpu.memory_space<vmem_shared>> -> memref<632x8xf32, #tpu.memory_space<vmem_shared>>
      tpu.wait_dma2 semaphore(%run_scoped3A : memref<!tpu.dma_semaphore, #tpu.memory_space<semaphore_mem>>) src(%dma_wait3A_32 : memref<632x8xf32, #tpu.memory_space<vmem_shared>>) dst(%arg6 : memref<632x8xf32, #tpu.memory_space<vmem>>)
      tpu.yield
    }) : () -> ()
    "tpu.region"() ({
      %run_scoped3A = tpu.sem_alloc : memref<!tpu.dma_semaphore, #tpu.memory_space<semaphore_mem>>
      %dma_start3A = arith.constant 0 : i32
      %dma_start3A_27 = tpu.memref_slice %arg3[%arg0, %multiple_of3A, %dma_start3A] : memref<2x10008x8xf32, #tpu.memory_space<hbm>> -> memref<1x632x8xf32, #tpu.memory_space<hbm>>
      %dma_start3A_28 = tpu.memref_squeeze %dma_start3A_27 : memref<1x632x8xf32, #tpu.memory_space<hbm>> -> memref<632x8xf32, #tpu.memory_space<hbm>>
      %dma_start3A_29 = arith.constant 0 : i32
      %dma_start3A_30 = tpu.memref_slice %arg3[%arg0, %multiple_of3A, %dma_start3A_29] : memref<2x10008x8xf32, #tpu.memory_space<hbm>> -> memref<1x632x8xf32, #tpu.memory_space<hbm>>
      %dma_start3A_31 = tpu.memref_squeeze %dma_start3A_30 : memref<1x632x8xf32, #tpu.memory_space<hbm>> -> memref<632x8xf32, #tpu.memory_space<hbm>>
      tpu.enqueue_dma source(%arg6 : memref<632x8xf32, #tpu.memory_space<vmem>>) target(%dma_start3A_31 : memref<632x8xf32, #tpu.memory_space<hbm>>) target_semaphore(%run_scoped3A : memref<!tpu.dma_semaphore, #tpu.memory_space<semaphore_mem>>)
      %dma_wait3A = arith.constant 0 : i32
      %dma_wait3A_32 = tpu.memref_slice %arg3[%arg0, %multiple_of3A, %dma_wait3A] : memref<2x10008x8xf32, #tpu.memory_space<hbm>> -> memref<1x632x8xf32, #tpu.memory_space<hbm>>
      %dma_wait3A_33 = tpu.memref_squeeze %dma_wait3A_32 : memref<1x632x8xf32, #tpu.memory_space<hbm>> -> memref<632x8xf32, #tpu.memory_space<hbm>>
      %dma_wait3A_34 = arith.constant 0 : i32
      %dma_wait3A_35 = tpu.memref_slice %arg3[%arg0, %multiple_of3A, %dma_wait3A_34] : memref<2x10008x8xf32, #tpu.memory_space<hbm>> -> memref<1x632x8xf32, #tpu.memory_space<hbm>>
      %dma_wait3A_36 = tpu.memref_squeeze %dma_wait3A_35 : memref<1x632x8xf32, #tpu.memory_space<hbm>> -> memref<632x8xf32, #tpu.memory_space<hbm>>
      tpu.wait_dma2 semaphore(%run_scoped3A : memref<!tpu.dma_semaphore, #tpu.memory_space<semaphore_mem>>) src(%arg6 : memref<632x8xf32, #tpu.memory_space<vmem>>) dst(%dma_wait3A_36 : memref<632x8xf32, #tpu.memory_space<hbm>>)
      tpu.yield
    }) : () -> ()
    return
  }
}

#map = affine_map<(d0, d1) -> (0, 0)>
#map1 = affine_map<(d0, d1) -> (0, 0, 0)>
module attributes {stable_mosaic.version = 14 : i64} {
  func.func @_sc_scatter(%arg0: i32, %arg1: i32, %arg2: memref<20000x64xf32, #tpu.memory_space<hbm>>, %arg3: memref<2x2560x128xi32, #tpu.memory_space<hbm>>, %arg4: memref<2560x128xi32, #tpu.memory_space<hbm>>, %arg5: memref<2x10008x64xf32, #tpu.memory_space<hbm>>, %arg6: memref<160x128xi32, #tpu.memory_space<vmem>>, %arg7: memref<160x128xi32, #tpu.memory_space<vmem>>, %arg8: memref<128x64xf32, #tpu.memory_space<vmem>>, %arg9: memref<632x64xf32, #tpu.memory_space<vmem>>, %arg10: memref<10008x64xf32, #tpu.memory_space<vmem_shared>>, %arg11: memref<!tpu.dma_semaphore, #tpu.memory_space<semaphore_mem>>) attributes {dimension_semantics = [#tpu.dimension_semantics<core_parallel>, #tpu.dimension_semantics<subcore_parallel>], iteration_bounds = array<i64: 2, 16>, scalar_prefetch = 0 : i64, scratch_operands = 6 : i64, tpu.core_type = #tpu.core_type<sc_vector_subcore>, window_params = [{transform_indices = #map}, {transform_indices = #map1}, {transform_indices = #map}, {transform_indices = #map1}]} {
    %mul3A = arith.constant 160 : i32
    %mul3A_0 = arith.muli %arg1, %mul3A : i32
    "tpu.region"() ({
      %run_scoped3A = tpu.sem_alloc : memref<!tpu.dma_semaphore, #tpu.memory_space<semaphore_mem>>
      %dma_start3A = arith.constant 0 : i32
      %dma_start3A_20 = tpu.memref_slice %arg3[%arg0, %mul3A_0, %dma_start3A] : memref<2x2560x128xi32, #tpu.memory_space<hbm>> -> memref<1x160x128xi32, #tpu.memory_space<hbm>>
      %dma_start3A_21 = tpu.memref_squeeze %dma_start3A_20 : memref<1x160x128xi32, #tpu.memory_space<hbm>> -> memref<160x128xi32, #tpu.memory_space<hbm>>
      %dma_start3A_22 = arith.constant 0 : i32
      %dma_start3A_23 = tpu.memref_slice %arg3[%arg0, %mul3A_0, %dma_start3A_22] : memref<2x2560x128xi32, #tpu.memory_space<hbm>> -> memref<1x160x128xi32, #tpu.memory_space<hbm>>
      %dma_start3A_24 = tpu.memref_squeeze %dma_start3A_23 : memref<1x160x128xi32, #tpu.memory_space<hbm>> -> memref<160x128xi32, #tpu.memory_space<hbm>>
      tpu.enqueue_dma source(%dma_start3A_24 : memref<160x128xi32, #tpu.memory_space<hbm>>) target(%arg6 : memref<160x128xi32, #tpu.memory_space<vmem>>) target_semaphore(%run_scoped3A : memref<!tpu.dma_semaphore, #tpu.memory_space<semaphore_mem>>)
      %dma_wait3A = arith.constant 0 : i32
      %dma_wait3A_25 = tpu.memref_slice %arg3[%arg0, %mul3A_0, %dma_wait3A] : memref<2x2560x128xi32, #tpu.memory_space<hbm>> -> memref<1x160x128xi32, #tpu.memory_space<hbm>>
      %dma_wait3A_26 = tpu.memref_squeeze %dma_wait3A_25 : memref<1x160x128xi32, #tpu.memory_space<hbm>> -> memref<160x128xi32, #tpu.memory_space<hbm>>
      %dma_wait3A_27 = arith.constant 0 : i32
      %dma_wait3A_28 = tpu.memref_slice %arg3[%arg0, %mul3A_0, %dma_wait3A_27] : memref<2x2560x128xi32, #tpu.memory_space<hbm>> -> memref<1x160x128xi32, #tpu.memory_space<hbm>>
      %dma_wait3A_29 = tpu.memref_squeeze %dma_wait3A_28 : memref<1x160x128xi32, #tpu.memory_space<hbm>> -> memref<160x128xi32, #tpu.memory_space<hbm>>
      tpu.wait_dma2 semaphore(%run_scoped3A : memref<!tpu.dma_semaphore, #tpu.memory_space<semaphore_mem>>) src(%dma_wait3A_29 : memref<160x128xi32, #tpu.memory_space<hbm>>) dst(%arg6 : memref<160x128xi32, #tpu.memory_space<vmem>>)
      tpu.yield
    }) : () -> ()
    %mul3A_1 = arith.constant 160 : i32
    %mul3A_2 = arith.muli %arg1, %mul3A_1 : i32
    "tpu.region"() ({
      %run_scoped3A = tpu.sem_alloc : memref<!tpu.dma_semaphore, #tpu.memory_space<semaphore_mem>>
      %dma_start3A = arith.constant 0 : i32
      %dma_start3A_20 = tpu.memref_slice %arg4[%mul3A_2, %dma_start3A] : memref<2560x128xi32, #tpu.memory_space<hbm>> -> memref<160x128xi32, #tpu.memory_space<hbm>>
      %dma_start3A_21 = arith.constant 0 : i32
      %dma_start3A_22 = tpu.memref_slice %arg4[%mul3A_2, %dma_start3A_21] : memref<2560x128xi32, #tpu.memory_space<hbm>> -> memref<160x128xi32, #tpu.memory_space<hbm>>
      tpu.enqueue_dma source(%dma_start3A_22 : memref<160x128xi32, #tpu.memory_space<hbm>>) target(%arg7 : memref<160x128xi32, #tpu.memory_space<vmem>>) target_semaphore(%run_scoped3A : memref<!tpu.dma_semaphore, #tpu.memory_space<semaphore_mem>>)
      %dma_wait3A = arith.constant 0 : i32
      %dma_wait3A_23 = tpu.memref_slice %arg4[%mul3A_2, %dma_wait3A] : memref<2560x128xi32, #tpu.memory_space<hbm>> -> memref<160x128xi32, #tpu.memory_space<hbm>>
      %dma_wait3A_24 = arith.constant 0 : i32
      %dma_wait3A_25 = tpu.memref_slice %arg4[%mul3A_2, %dma_wait3A_24] : memref<2560x128xi32, #tpu.memory_space<hbm>> -> memref<160x128xi32, #tpu.memory_space<hbm>>
      tpu.wait_dma2 semaphore(%run_scoped3A : memref<!tpu.dma_semaphore, #tpu.memory_space<semaphore_mem>>) src(%dma_wait3A_25 : memref<160x128xi32, #tpu.memory_space<hbm>>) dst(%arg7 : memref<160x128xi32, #tpu.memory_space<vmem>>)
      tpu.yield
    }) : () -> ()
    %scan3A = arith.constant 0 : i32
    %scan3A_3 = arith.constant 0 : i32
    %scan3A_4 = arith.constant 632 : i32
    %scan3A_5 = arith.addi %scan3A_3, %scan3A_4 : i32
    %scan3A_6 = arith.constant 1 : i32
    %scan3A_7 = scf.for %scan3A_20 = %scan3A_3 to %scan3A_5 step %scan3A_6 iter_args(%scan3A_21 = %scan3A) -> (i32)  : i32 {
      %broadcast_in_dim3A = arith.constant 0.000000e+00 : f32
      %broadcast_in_dim3A_22 = vector.broadcast %broadcast_in_dim3A : f32 to vector<16xf32>
      %swap3A = arith.index_cast %scan3A_20 : i32 to index
      %swap3A_23 = arith.constant 0 : index
      %swap3A_24 = tpu.vector_load %arg9[%swap3A, %swap3A_23] {strides = array<i32>} : memref<632x64xf32, #tpu.memory_space<vmem>>, vector<1x16xf32>,
      %swap3A_25 = vector.shape_cast %swap3A_24 : vector<1x16xf32> to vector<16xf32>
      %swap3A_26 = vector.shape_cast %broadcast_in_dim3A_22 : vector<16xf32> to vector<1x16xf32>
      tpu.vector_store %arg9[%swap3A, %swap3A_23], %swap3A_26 {strides = array<i32>} : memref<632x64xf32, #tpu.memory_space<vmem>>, vector<1x16xf32>,
      %broadcast_in_dim3A_27 = arith.constant 0.000000e+00 : f32
      %broadcast_in_dim3A_28 = vector.broadcast %broadcast_in_dim3A_27 : f32 to vector<16xf32>
      %swap3A_29 = arith.index_cast %scan3A_20 : i32 to index
      %swap3A_30 = arith.constant 16 : index
      %swap3A_31 = tpu.vector_load %arg9[%swap3A_29, %swap3A_30] {strides = array<i32>} : memref<632x64xf32, #tpu.memory_space<vmem>>, vector<1x16xf32>,
      %swap3A_32 = vector.shape_cast %swap3A_31 : vector<1x16xf32> to vector<16xf32>
      %swap3A_33 = vector.shape_cast %broadcast_in_dim3A_28 : vector<16xf32> to vector<1x16xf32>
      tpu.vector_store %arg9[%swap3A_29, %swap3A_30], %swap3A_33 {strides = array<i32>} : memref<632x64xf32, #tpu.memory_space<vmem>>, vector<1x16xf32>,
      %broadcast_in_dim3A_34 = arith.constant 0.000000e+00 : f32
      %broadcast_in_dim3A_35 = vector.broadcast %broadcast_in_dim3A_34 : f32 to vector<16xf32>
      %swap3A_36 = arith.index_cast %scan3A_20 : i32 to index
      %swap3A_37 = arith.constant 32 : index
      %swap3A_38 = tpu.vector_load %arg9[%swap3A_36, %swap3A_37] {strides = array<i32>} : memref<632x64xf32, #tpu.memory_space<vmem>>, vector<1x16xf32>,
      %swap3A_39 = vector.shape_cast %swap3A_38 : vector<1x16xf32> to vector<16xf32>
      %swap3A_40 = vector.shape_cast %broadcast_in_dim3A_35 : vector<16xf32> to vector<1x16xf32>
      tpu.vector_store %arg9[%swap3A_36, %swap3A_37], %swap3A_40 {strides = array<i32>} : memref<632x64xf32, #tpu.memory_space<vmem>>, vector<1x16xf32>,
      %broadcast_in_dim3A_41 = arith.constant 0.000000e+00 : f32
      %broadcast_in_dim3A_42 = vector.broadcast %broadcast_in_dim3A_41 : f32 to vector<16xf32>
      %swap3A_43 = arith.index_cast %scan3A_20 : i32 to index
      %swap3A_44 = arith.constant 48 : index
      %swap3A_45 = tpu.vector_load %arg9[%swap3A_43, %swap3A_44] {strides = array<i32>} : memref<632x64xf32, #tpu.memory_space<vmem>>, vector<1x16xf32>,
      %swap3A_46 = vector.shape_cast %swap3A_45 : vector<1x16xf32> to vector<16xf32>
      %swap3A_47 = vector.shape_cast %broadcast_in_dim3A_42 : vector<16xf32> to vector<1x16xf32>
      tpu.vector_store %arg9[%swap3A_43, %swap3A_44], %swap3A_47 {strides = array<i32>} : memref<632x64xf32, #tpu.memory_space<vmem>>, vector<1x16xf32>,
      %scan3A_48 = arith.constant 0 : i32
      scf.yield %scan3A_48 : i32
    }
    %scan3A_8 = arith.constant 632 : i32
    %mul3A_9 = arith.constant 632 : i32
    %mul3A_10 = arith.muli %arg1, %mul3A_9 : i32
    %min3A = arith.constant 9376 : i32
    %min3A_11 = arith.minsi %mul3A_10, %min3A : i32
    %multiple_of3A = tpu.assume_multiple %min3A_11, 8 : i32
    "tpu.region"() ({
      %run_scoped3A = tpu.sem_alloc : memref<!tpu.dma_semaphore, #tpu.memory_space<semaphore_mem>>
      %dma_start3A = arith.constant 0 : i32
      %dma_start3A_20 = tpu.memref_slice %arg10[%multiple_of3A, %dma_start3A] : memref<10008x64xf32, #tpu.memory_space<vmem_shared>> -> memref<632x64xf32, #tpu.memory_space<vmem_shared>>
      %dma_start3A_21 = arith.constant 0 : i32
      %dma_start3A_22 = tpu.memref_slice %arg10[%multiple_of3A, %dma_start3A_21] : memref<10008x64xf32, #tpu.memory_space<vmem_shared>> -> memref<632x64xf32, #tpu.memory_space<vmem_shared>>
      tpu.enqueue_dma source(%arg9 : memref<632x64xf32, #tpu.memory_space<vmem>>) target(%dma_start3A_22 : memref<632x64xf32, #tpu.memory_space<vmem_shared>>) target_semaphore(%run_scoped3A : memref<!tpu.dma_semaphore, #tpu.memory_space<semaphore_mem>>)
      %dma_wait3A = arith.constant 0 : i32
      %dma_wait3A_23 = tpu.memref_slice %arg10[%multiple_of3A, %dma_wait3A] : memref<10008x64xf32, #tpu.memory_space<vmem_shared>> -> memref<632x64xf32, #tpu.memory_space<vmem_shared>>
      %dma_wait3A_24 = arith.constant 0 : i32
      %dma_wait3A_25 = tpu.memref_slice %arg10[%multiple_of3A, %dma_wait3A_24] : memref<10008x64xf32, #tpu.memory_space<vmem_shared>> -> memref<632x64xf32, #tpu.memory_space<vmem_shared>>
      tpu.wait_dma2 semaphore(%run_scoped3A : memref<!tpu.dma_semaphore, #tpu.memory_space<semaphore_mem>>) src(%arg9 : memref<632x64xf32, #tpu.memory_space<vmem>>) dst(%dma_wait3A_25 : memref<632x64xf32, #tpu.memory_space<vmem_shared>>)
      tpu.yield
    }) : () -> ()
    %barrier3A = arith.constant 0 : index
    tpu.barrier barrier_id(%barrier3A)
    %scan3A_12 = arith.constant 0 : i32
    %scan3A_13 = arith.constant 0 : i32
    %scan3A_14 = arith.constant 160 : i32
    %scan3A_15 = arith.addi %scan3A_13, %scan3A_14 : i32
    %scan3A_16 = arith.constant 1 : i32
    %scan3A_17 = scf.for %scan3A_20 = %scan3A_13 to %scan3A_15 step %scan3A_16 iter_args(%scan3A_21 = %scan3A_12) -> (i32)  : i32 {
      %dma_start3A = arith.constant 0 : i32
      %dma_start3A_22 = tpu.memref_slice %arg6[%scan3A_20, %dma_start3A] : memref<160x128xi32, #tpu.memory_space<vmem>> -> memref<1x128xi32, #tpu.memory_space<vmem>>
      %dma_start3A_23 = tpu.memref_squeeze %dma_start3A_22 : memref<1x128xi32, #tpu.memory_space<vmem>> -> memref<128xi32, #tpu.memory_space<vmem>>
      %dma_start3A_24 = arith.constant 0 : i32
      %dma_start3A_25 = arith.constant 0 : i32
      %dma_start3A_26 = tpu.memref_slice %arg2[%dma_start3A_24, %dma_start3A_25] : memref<20000x64xf32, #tpu.memory_space<hbm>> -> memref<20000x64xf32, #tpu.memory_space<hbm>>
      tpu.enqueue_indirect_dma source(%dma_start3A_26 : memref<20000x64xf32, #tpu.memory_space<hbm>>) target(%arg8 : memref<128x64xf32, #tpu.memory_space<vmem>>) offsets(%dma_start3A_23 : memref<128xi32, #tpu.memory_space<vmem>>) semaphore(%arg11 : memref<!tpu.dma_semaphore, #tpu.memory_space<semaphore_mem>>)
      %dma_wait3A = arith.constant 0 : i32
      %dma_wait3A_27 = tpu.memref_slice %arg6[%scan3A_20, %dma_wait3A] : memref<160x128xi32, #tpu.memory_space<vmem>> -> memref<1x128xi32, #tpu.memory_space<vmem>>
      %dma_wait3A_28 = tpu.memref_squeeze %dma_wait3A_27 : memref<1x128xi32, #tpu.memory_space<vmem>> -> memref<128xi32, #tpu.memory_space<vmem>>
      %dma_wait3A_29 = arith.constant 0 : i32
      %dma_wait3A_30 = arith.constant 0 : i32
      %dma_wait3A_31 = tpu.memref_slice %arg2[%dma_wait3A_29, %dma_wait3A_30] : memref<20000x64xf32, #tpu.memory_space<hbm>> -> memref<20000x64xf32, #tpu.memory_space<hbm>>
      tpu.wait_indirect_dma semaphore(%arg11 : memref<!tpu.dma_semaphore, #tpu.memory_space<semaphore_mem>>) src(%dma_wait3A_31 : memref<20000x64xf32, #tpu.memory_space<hbm>>) dst(%arg8 : memref<128x64xf32, #tpu.memory_space<vmem>>)
      "tpu.region"() ({
        %run_scoped3A = tpu.sem_alloc : memref<!tpu.dma_semaphore, #tpu.memory_space<semaphore_mem>>
        %dma_start3A_33 = arith.constant 0 : i32
        %dma_start3A_34 = tpu.memref_slice %arg7[%scan3A_20, %dma_start3A_33] : memref<160x128xi32, #tpu.memory_space<vmem>> -> memref<1x128xi32, #tpu.memory_space<vmem>>
        %dma_start3A_35 = tpu.memref_squeeze %dma_start3A_34 : memref<1x128xi32, #tpu.memory_space<vmem>> -> memref<128xi32, #tpu.memory_space<vmem>>
        %dma_start3A_36 = arith.constant 0 : i32
        %dma_start3A_37 = arith.constant 0 : i32
        %dma_start3A_38 = tpu.memref_slice %arg10[%dma_start3A_36, %dma_start3A_37] : memref<10008x64xf32, #tpu.memory_space<vmem_shared>> -> memref<10008x64xf32, #tpu.memory_space<vmem_shared>>
        tpu.enqueue_indirect_dma source(%arg8 : memref<128x64xf32, #tpu.memory_space<vmem>>) target(%dma_start3A_38 : memref<10008x64xf32, #tpu.memory_space<vmem_shared>>) offsets(%dma_start3A_35 : memref<128xi32, #tpu.memory_space<vmem>>) semaphore(%run_scoped3A : memref<!tpu.dma_semaphore, #tpu.memory_space<semaphore_mem>>) {add = true}
        %dma_wait3A_39 = arith.constant 0 : i32
        %dma_wait3A_40 = tpu.memref_slice %arg7[%scan3A_20, %dma_wait3A_39] : memref<160x128xi32, #tpu.memory_space<vmem>> -> memref<1x128xi32, #tpu.memory_space<vmem>>
        %dma_wait3A_41 = tpu.memref_squeeze %dma_wait3A_40 : memref<1x128xi32, #tpu.memory_space<vmem>> -> memref<128xi32, #tpu.memory_space<vmem>>
        %dma_wait3A_42 = arith.constant 0 : i32
        %dma_wait3A_43 = arith.constant 0 : i32
        %dma_wait3A_44 = tpu.memref_slice %arg10[%dma_wait3A_42, %dma_wait3A_43] : memref<10008x64xf32, #tpu.memory_space<vmem_shared>> -> memref<10008x64xf32, #tpu.memory_space<vmem_shared>>
        tpu.wait_indirect_dma semaphore(%run_scoped3A : memref<!tpu.dma_semaphore, #tpu.memory_space<semaphore_mem>>) src(%arg8 : memref<128x64xf32, #tpu.memory_space<vmem>>) dst(%dma_wait3A_44 : memref<10008x64xf32, #tpu.memory_space<vmem_shared>>)
        tpu.yield
      }) : () -> ()
      %scan3A_32 = arith.constant 0 : i32
      scf.yield %scan3A_32 : i32
    }
    %scan3A_18 = arith.constant 160 : i32
    %barrier3A_19 = arith.constant 0 : index
    tpu.barrier barrier_id(%barrier3A_19)
    "tpu.region"() ({
      %run_scoped3A = tpu.sem_alloc : memref<!tpu.dma_semaphore, #tpu.memory_space<semaphore_mem>>
      %dma_start3A = arith.constant 0 : i32
      %dma_start3A_20 = tpu.memref_slice %arg10[%multiple_of3A, %dma_start3A] : memref<10008x64xf32, #tpu.memory_space<vmem_shared>> -> memref<632x64xf32, #tpu.memory_space<vmem_shared>>
      %dma_start3A_21 = arith.constant 0 : i32
      %dma_start3A_22 = tpu.memref_slice %arg10[%multiple_of3A, %dma_start3A_21] : memref<10008x64xf32, #tpu.memory_space<vmem_shared>> -> memref<632x64xf32, #tpu.memory_space<vmem_shared>>
      tpu.enqueue_dma source(%dma_start3A_22 : memref<632x64xf32, #tpu.memory_space<vmem_shared>>) target(%arg9 : memref<632x64xf32, #tpu.memory_space<vmem>>) target_semaphore(%run_scoped3A : memref<!tpu.dma_semaphore, #tpu.memory_space<semaphore_mem>>)
      %dma_wait3A = arith.constant 0 : i32
      %dma_wait3A_23 = tpu.memref_slice %arg10[%multiple_of3A, %dma_wait3A] : memref<10008x64xf32, #tpu.memory_space<vmem_shared>> -> memref<632x64xf32, #tpu.memory_space<vmem_shared>>
      %dma_wait3A_24 = arith.constant 0 : i32
      %dma_wait3A_25 = tpu.memref_slice %arg10[%multiple_of3A, %dma_wait3A_24] : memref<10008x64xf32, #tpu.memory_space<vmem_shared>> -> memref<632x64xf32, #tpu.memory_space<vmem_shared>>
      tpu.wait_dma2 semaphore(%run_scoped3A : memref<!tpu.dma_semaphore, #tpu.memory_space<semaphore_mem>>) src(%dma_wait3A_25 : memref<632x64xf32, #tpu.memory_space<vmem_shared>>) dst(%arg9 : memref<632x64xf32, #tpu.memory_space<vmem>>)
      tpu.yield
    }) : () -> ()
    "tpu.region"() ({
      %run_scoped3A = tpu.sem_alloc : memref<!tpu.dma_semaphore, #tpu.memory_space<semaphore_mem>>
      %dma_start3A = arith.constant 0 : i32
      %dma_start3A_20 = tpu.memref_slice %arg5[%arg0, %multiple_of3A, %dma_start3A] : memref<2x10008x64xf32, #tpu.memory_space<hbm>> -> memref<1x632x64xf32, #tpu.memory_space<hbm>>
      %dma_start3A_21 = tpu.memref_squeeze %dma_start3A_20 : memref<1x632x64xf32, #tpu.memory_space<hbm>> -> memref<632x64xf32, #tpu.memory_space<hbm>>
      %dma_start3A_22 = arith.constant 0 : i32
      %dma_start3A_23 = tpu.memref_slice %arg5[%arg0, %multiple_of3A, %dma_start3A_22] : memref<2x10008x64xf32, #tpu.memory_space<hbm>> -> memref<1x632x64xf32, #tpu.memory_space<hbm>>
      %dma_start3A_24 = tpu.memref_squeeze %dma_start3A_23 : memref<1x632x64xf32, #tpu.memory_space<hbm>> -> memref<632x64xf32, #tpu.memory_space<hbm>>
      tpu.enqueue_dma source(%arg9 : memref<632x64xf32, #tpu.memory_space<vmem>>) target(%dma_start3A_24 : memref<632x64xf32, #tpu.memory_space<hbm>>) target_semaphore(%run_scoped3A : memref<!tpu.dma_semaphore, #tpu.memory_space<semaphore_mem>>)
      %dma_wait3A = arith.constant 0 : i32
      %dma_wait3A_25 = tpu.memref_slice %arg5[%arg0, %multiple_of3A, %dma_wait3A] : memref<2x10008x64xf32, #tpu.memory_space<hbm>> -> memref<1x632x64xf32, #tpu.memory_space<hbm>>
      %dma_wait3A_26 = tpu.memref_squeeze %dma_wait3A_25 : memref<1x632x64xf32, #tpu.memory_space<hbm>> -> memref<632x64xf32, #tpu.memory_space<hbm>>
      %dma_wait3A_27 = arith.constant 0 : i32
      %dma_wait3A_28 = tpu.memref_slice %arg5[%arg0, %multiple_of3A, %dma_wait3A_27] : memref<2x10008x64xf32, #tpu.memory_space<hbm>> -> memref<1x632x64xf32, #tpu.memory_space<hbm>>
      %dma_wait3A_29 = tpu.memref_squeeze %dma_wait3A_28 : memref<1x632x64xf32, #tpu.memory_space<hbm>> -> memref<632x64xf32, #tpu.memory_space<hbm>>
      tpu.wait_dma2 semaphore(%run_scoped3A : memref<!tpu.dma_semaphore, #tpu.memory_space<semaphore_mem>>) src(%arg9 : memref<632x64xf32, #tpu.memory_space<vmem>>) dst(%dma_wait3A_29 : memref<632x64xf32, #tpu.memory_space<hbm>>)
      tpu.yield
    }) : () -> ()
    return
  }
}

module attributes {stable_mosaic.version = 14 : i64} {
  func.func @_tc_degsum(%arg0: memref<2x10008x8xf32, #tpu.memory_space<vmem>>, %arg1: memref<10008x8xf32, #tpu.memory_space<vmem>>) attributes {dimension_semantics = [], scalar_prefetch = 0 : i64, scratch_operands = 0 : i64, tpu.core_type = #tpu.core_type<tc>} {
    %get3A = arith.constant 0 : index
    %get3A_0 = arith.constant 0 : index
    %get3A_1 = arith.constant 0 : index
    %get3A_2 = vector.load %arg0[%get3A, %get3A_0, %get3A_1] : memref<2x10008x8xf32, #tpu.memory_space<vmem>>, vector<1x10008x8xf32>
    %get3A_3 = vector.shape_cast %get3A_2 : vector<1x10008x8xf32> to vector<10008x8xf32>
    %get3A_4 = arith.constant 1 : index
    %get3A_5 = arith.constant 0 : index
    %get3A_6 = arith.constant 0 : index
    %get3A_7 = vector.load %arg0[%get3A_4, %get3A_5, %get3A_6] : memref<2x10008x8xf32, #tpu.memory_space<vmem>>, vector<1x10008x8xf32>
    %get3A_8 = vector.shape_cast %get3A_7 : vector<1x10008x8xf32> to vector<10008x8xf32>
    %add3A = arith.addf %get3A_3, %get3A_8 : vector<10008x8xf32>
    %add3A_9 = arith.constant 1.000000e+00 : f32
    %add3A_10 = vector.broadcast %add3A_9 : f32 to vector<10008x8xf32>
    %add3A_11 = arith.addf %add3A, %add3A_10 : vector<10008x8xf32>
    %rsqrt3A = math.rsqrt %add3A_11 : vector<10008x8xf32>
    %swap3A = arith.constant 0 : index
    %swap3A_12 = arith.constant 0 : index
    %swap3A_13 = vector.load %arg1[%swap3A, %swap3A_12] : memref<10008x8xf32, #tpu.memory_space<vmem>>, vector<10008x8xf32>
    tpu.vector_store %arg1[%swap3A, %swap3A_12], %rsqrt3A {strides = array<i32>} : memref<10008x8xf32, #tpu.memory_space<vmem>>, vector<10008x8xf32>,
    return
  }
}

module attributes {stable_mosaic.version = 14 : i64} {
  func.func @_tc_first(%arg0: i32, %arg1: memref<1000x128xf32, #tpu.memory_space<vmem>>, %arg2: memref<1000x64xf32, #tpu.memory_space<vmem>>, %arg3: memref<2x128x64xf32, #tpu.memory_space<vmem>>, %arg4: memref<2x1000x64xf32, #tpu.memory_space<vmem>>) attributes {dimension_semantics = [#tpu.dimension_semantics<arbitrary>], iteration_bounds = array<i64: 10>, scalar_prefetch = 0 : i64, scratch_operands = 0 : i64, tpu.core_type = #tpu.core_type<tc>, window_params = [{transform_indices = @transform_0, window_bounds = array<i64: 1000, 128>}, {transform_indices = @transform_1, window_bounds = array<i64: 1000, 64>}, {pipeline_mode = #tpu.pipeline_mode<synchronous>, transform_indices = @transform_2, window_bounds = array<i64: 2, 128, 64>}, {transform_indices = @transform_3, window_bounds = array<i64: 2, 1000, 64>}]} {
    %get3A = arith.constant 0 : index
    %get3A_0 = arith.constant 0 : index
    %get3A_1 = vector.load %arg2[%get3A, %get3A_0] : memref<1000x64xf32, #tpu.memory_space<vmem>>, vector<1000x64xf32>
    %get3A_2 = arith.constant 0 : index
    %get3A_3 = arith.constant 0 : index
    %get3A_4 = vector.load %arg1[%get3A_2, %get3A_3] : memref<1000x128xf32, #tpu.memory_space<vmem>>, vector<1000x128xf32>
    %get3A_5 = arith.constant 0 : index
    %get3A_6 = arith.constant 0 : index
    %get3A_7 = arith.constant 0 : index
    %get3A_8 = vector.load %arg3[%get3A_5, %get3A_6, %get3A_7] : memref<2x128x64xf32, #tpu.memory_space<vmem>>, vector<1x128x64xf32>
    %get3A_9 = vector.shape_cast %get3A_8 : vector<1x128x64xf32> to vector<128x64xf32>
    %dot_general3A = arith.constant dense<0.000000e+00> : vector<1000x64xf32>
    %dot_general3A_10 = tpu.matmul %get3A_4, %get3A_9, %dot_general3A {dimension_numbers = #tpu.dot_dimension_numbers<[1], [0], [0], [1], [0, 0, 1, 1], [], []>, transpose_lhs_hint = false} : vector<1000x128xf32>, vector<128x64xf32>, vector<1000x64xf32> -> vector<1000x64xf32>
    %mul3A = arith.mulf %get3A_1, %dot_general3A_10 : vector<1000x64xf32>
    %swap3A = arith.constant 0 : index
    %swap3A_11 = arith.constant 0 : index
    %swap3A_12 = arith.constant 0 : index
    %swap3A_13 = vector.load %arg4[%swap3A, %swap3A_11, %swap3A_12] : memref<2x1000x64xf32, #tpu.memory_space<vmem>>, vector<1x1000x64xf32>
    %swap3A_14 = vector.shape_cast %swap3A_13 : vector<1x1000x64xf32> to vector<1000x64xf32>
    %swap3A_15 = vector.shape_cast %mul3A : vector<1000x64xf32> to vector<1x1000x64xf32>
    tpu.vector_store %arg4[%swap3A, %swap3A_11, %swap3A_12], %swap3A_15 {strides = array<i32>} : memref<2x1000x64xf32, #tpu.memory_space<vmem>>, vector<1x1000x64xf32>,
    %get3A_16 = arith.constant 1 : index
    %get3A_17 = arith.constant 0 : index
    %get3A_18 = arith.constant 0 : index
    %get3A_19 = vector.load %arg3[%get3A_16, %get3A_17, %get3A_18] : memref<2x128x64xf32, #tpu.memory_space<vmem>>, vector<1x128x64xf32>
    %get3A_20 = vector.shape_cast %get3A_19 : vector<1x128x64xf32> to vector<128x64xf32>
    %dot_general3A_21 = arith.constant dense<0.000000e+00> : vector<1000x64xf32>
    %dot_general3A_22 = tpu.matmul %get3A_4, %get3A_20, %dot_general3A_21 {dimension_numbers = #tpu.dot_dimension_numbers<[1], [0], [0], [1], [0, 0, 1, 1], [], []>, transpose_lhs_hint = false} : vector<1000x128xf32>, vector<128x64xf32>, vector<1000x64xf32> -> vector<1000x64xf32>
    %mul3A_23 = arith.mulf %get3A_1, %dot_general3A_22 : vector<1000x64xf32>
    %swap3A_24 = arith.constant 1 : index
    %swap3A_25 = arith.constant 0 : index
    %swap3A_26 = arith.constant 0 : index
    %swap3A_27 = vector.load %arg4[%swap3A_24, %swap3A_25, %swap3A_26] : memref<2x1000x64xf32, #tpu.memory_space<vmem>>, vector<1x1000x64xf32>
    %swap3A_28 = vector.shape_cast %swap3A_27 : vector<1x1000x64xf32> to vector<1000x64xf32>
    %swap3A_29 = vector.shape_cast %mul3A_23 : vector<1000x64xf32> to vector<1x1000x64xf32>
    tpu.vector_store %arg4[%swap3A_24, %swap3A_25, %swap3A_26], %swap3A_29 {strides = array<i32>} : memref<2x1000x64xf32, #tpu.memory_space<vmem>>, vector<1x1000x64xf32>,
    return
  }
  func.func @transform_0(%arg0: i32) -> (i32, i32) {
    %c0_i32 = arith.constant 0 : i32
    %c0_i32_0 = arith.constant 0 : i32
    return %arg0, %c0_i32 : i32, i32
  }
  func.func @transform_1(%arg0: i32) -> (i32, i32) {
    %c0_i32 = arith.constant 0 : i32
    %c0_i32_0 = arith.constant 0 : i32
    return %arg0, %c0_i32 : i32, i32
  }
  func.func @transform_2(%arg0: i32) -> (i32, i32, i32) {
    %c0_i32 = arith.constant 0 : i32
    %c0_i32_0 = arith.constant 0 : i32
    %c0_i32_1 = arith.constant 0 : i32
    %c0_i32_2 = arith.constant 0 : i32
    return %c0_i32, %c0_i32_0, %c0_i32_1 : i32, i32, i32
  }
  func.func @transform_3(%arg0: i32) -> (i32, i32, i32) {
    %c0_i32 = arith.constant 0 : i32
    %c0_i32_0 = arith.constant 0 : i32
    %c0_i32_1 = arith.constant 0 : i32
    return %c0_i32, %arg0, %c0_i32_0 : i32, i32, i32
  }
}

module attributes {stable_mosaic.version = 14 : i64} {
  func.func @_tc_mid(%arg0: i32, %arg1: memref<2x1000x64xf32, #tpu.memory_space<vmem>>, %arg2: memref<2x1000x64xf32, #tpu.memory_space<vmem>>, %arg3: memref<1000x64xf32, #tpu.memory_space<vmem>>, %arg4: memref<2x2x64x64xf32, #tpu.memory_space<vmem>>, %arg5: memref<2x1x64xf32, #tpu.memory_space<vmem>>, %arg6: memref<2x1000x64xf32, #tpu.memory_space<vmem>>) attributes {dimension_semantics = [#tpu.dimension_semantics<arbitrary>], iteration_bounds = array<i64: 10>, scalar_prefetch = 0 : i64, scratch_operands = 0 : i64, tpu.core_type = #tpu.core_type<tc>, window_params = [{transform_indices = @transform_0, window_bounds = array<i64: 2, 1000, 64>}, {transform_indices = @transform_1, window_bounds = array<i64: 2, 1000, 64>}, {transform_indices = @transform_2, window_bounds = array<i64: 1000, 64>}, {pipeline_mode = #tpu.pipeline_mode<synchronous>, transform_indices = @transform_3, window_bounds = array<i64: 2, 2, 64, 64>}, {pipeline_mode = #tpu.pipeline_mode<synchronous>, transform_indices = @transform_4, window_bounds = array<i64: 2, 1, 64>}, {transform_indices = @transform_5, window_bounds = array<i64: 2, 1000, 64>}]} {
    %get3A = arith.constant 0 : index
    %get3A_0 = arith.constant 0 : index
    %get3A_1 = vector.load %arg3[%get3A, %get3A_0] : memref<1000x64xf32, #tpu.memory_space<vmem>>, vector<1000x64xf32>
    %get3A_2 = arith.constant 0 : index
    %get3A_3 = arith.constant 0 : index
    %get3A_4 = arith.constant 0 : index
    %get3A_5 = vector.load %arg1[%get3A_2, %get3A_3, %get3A_4] : memref<2x1000x64xf32, #tpu.memory_space<vmem>>, vector<1x1000x64xf32>
    %get3A_6 = vector.shape_cast %get3A_5 : vector<1x1000x64xf32> to vector<1000x64xf32>
    %get3A_7 = arith.constant 0 : index
    %get3A_8 = arith.constant 0 : index
    %get3A_9 = arith.constant 0 : index
    %get3A_10 = vector.load %arg2[%get3A_7, %get3A_8, %get3A_9] : memref<2x1000x64xf32, #tpu.memory_space<vmem>>, vector<1x1000x64xf32>
    %get3A_11 = vector.shape_cast %get3A_10 : vector<1x1000x64xf32> to vector<1000x64xf32>
    %add3A = arith.addf %get3A_6, %get3A_11 : vector<1000x64xf32>
    %mul3A = arith.mulf %get3A_1, %add3A : vector<1000x64xf32>
    %get3A_12 = arith.constant 0 : index
    %get3A_13 = arith.constant 0 : index
    %get3A_14 = arith.constant 0 : index
    %get3A_15 = vector.load %arg5[%get3A_12, %get3A_13, %get3A_14] : memref<2x1x64xf32, #tpu.memory_space<vmem>>, vector<1x1x64xf32>
    %get3A_16 = vector.shape_cast %get3A_15 : vector<1x1x64xf32> to vector<1x64xf32>
    %add3A_17 = vector.broadcast %get3A_16 : vector<1x64xf32> to vector<1000x64xf32>
    %add3A_18 = arith.addf %mul3A, %add3A_17 : vector<1000x64xf32>
    %max3A = arith.constant 0.000000e+00 : f32
    %max3A_19 = vector.broadcast %max3A : f32 to vector<1000x64xf32>
    %max3A_20 = arith.maximumf %add3A_18, %max3A_19 : vector<1000x64xf32>
    %get3A_21 = arith.constant 1 : index
    %get3A_22 = arith.constant 0 : index
    %get3A_23 = arith.constant 0 : index
    %get3A_24 = vector.load %arg1[%get3A_21, %get3A_22, %get3A_23] : memref<2x1000x64xf32, #tpu.memory_space<vmem>>, vector<1x1000x64xf32>
    %get3A_25 = vector.shape_cast %get3A_24 : vector<1x1000x64xf32> to vector<1000x64xf32>
    %get3A_26 = arith.constant 1 : index
    %get3A_27 = arith.constant 0 : index
    %get3A_28 = arith.constant 0 : index
    %get3A_29 = vector.load %arg2[%get3A_26, %get3A_27, %get3A_28] : memref<2x1000x64xf32, #tpu.memory_space<vmem>>, vector<1x1000x64xf32>
    %get3A_30 = vector.shape_cast %get3A_29 : vector<1x1000x64xf32> to vector<1000x64xf32>
    %add3A_31 = arith.addf %get3A_25, %get3A_30 : vector<1000x64xf32>
    %mul3A_32 = arith.mulf %get3A_1, %add3A_31 : vector<1000x64xf32>
    %get3A_33 = arith.constant 1 : index
    %get3A_34 = arith.constant 0 : index
    %get3A_35 = arith.constant 0 : index
    %get3A_36 = vector.load %arg5[%get3A_33, %get3A_34, %get3A_35] : memref<2x1x64xf32, #tpu.memory_space<vmem>>, vector<1x1x64xf32>
    %get3A_37 = vector.shape_cast %get3A_36 : vector<1x1x64xf32> to vector<1x64xf32>
    %add3A_38 = vector.broadcast %get3A_37 : vector<1x64xf32> to vector<1000x64xf32>
    %add3A_39 = arith.addf %mul3A_32, %add3A_38 : vector<1000x64xf32>
    %max3A_40 = arith.constant 0.000000e+00 : f32
    %max3A_41 = vector.broadcast %max3A_40 : f32 to vector<1000x64xf32>
    %max3A_42 = arith.maximumf %add3A_39, %max3A_41 : vector<1000x64xf32>
    %get3A_43 = arith.constant 0 : index
    %get3A_44 = arith.constant 0 : index
    %get3A_45 = arith.constant 0 : index
    %get3A_46 = arith.constant 0 : index
    %get3A_47 = vector.load %arg4[%get3A_43, %get3A_44, %get3A_45, %get3A_46] : memref<2x2x64x64xf32, #tpu.memory_space<vmem>>, vector<1x1x64x64xf32>
    %get3A_48 = vector.shape_cast %get3A_47 : vector<1x1x64x64xf32> to vector<64x64xf32>
    %dot_general3A = arith.constant dense<0.000000e+00> : vector<1000x64xf32>
    %dot_general3A_49 = tpu.matmul %max3A_20, %get3A_48, %dot_general3A {dimension_numbers = #tpu.dot_dimension_numbers<[1], [0], [0], [1], [0, 0, 1, 1], [], []>, transpose_lhs_hint = false} : vector<1000x64xf32>, vector<64x64xf32>, vector<1000x64xf32> -> vector<1000x64xf32>
    %get3A_50 = arith.constant 1 : index
    %get3A_51 = arith.constant 0 : index
    %get3A_52 = arith.constant 0 : index
    %get3A_53 = arith.constant 0 : index
    %get3A_54 = vector.load %arg4[%get3A_50, %get3A_51, %get3A_52, %get3A_53] : memref<2x2x64x64xf32, #tpu.memory_space<vmem>>, vector<1x1x64x64xf32>
    %get3A_55 = vector.shape_cast %get3A_54 : vector<1x1x64x64xf32> to vector<64x64xf32>
    %dot_general3A_56 = arith.constant dense<0.000000e+00> : vector<1000x64xf32>
    %dot_general3A_57 = tpu.matmul %max3A_42, %get3A_55, %dot_general3A_56 {dimension_numbers = #tpu.dot_dimension_numbers<[1], [0], [0], [1], [0, 0, 1, 1], [], []>, transpose_lhs_hint = false} : vector<1000x64xf32>, vector<64x64xf32>, vector<1000x64xf32> -> vector<1000x64xf32>
    %add3A_58 = arith.addf %dot_general3A_49, %dot_general3A_57 : vector<1000x64xf32>
    %mul3A_59 = arith.mulf %get3A_1, %add3A_58 : vector<1000x64xf32>
    %swap3A = arith.constant 0 : index
    %swap3A_60 = arith.constant 0 : index
    %swap3A_61 = arith.constant 0 : index
    %swap3A_62 = vector.load %arg6[%swap3A, %swap3A_60, %swap3A_61] : memref<2x1000x64xf32, #tpu.memory_space<vmem>>, vector<1x1000x64xf32>
    %swap3A_63 = vector.shape_cast %swap3A_62 : vector<1x1000x64xf32> to vector<1000x64xf32>
    %swap3A_64 = vector.shape_cast %mul3A_59 : vector<1000x64xf32> to vector<1x1000x64xf32>
    tpu.vector_store %arg6[%swap3A, %swap3A_60, %swap3A_61], %swap3A_64 {strides = array<i32>} : memref<2x1000x64xf32, #tpu.memory_space<vmem>>, vector<1x1000x64xf32>,
    %get3A_65 = arith.constant 0 : index
    %get3A_66 = arith.constant 1 : index
    %get3A_67 = arith.constant 0 : index
    %get3A_68 = arith.constant 0 : index
    %get3A_69 = vector.load %arg4[%get3A_65, %get3A_66, %get3A_67, %get3A_68] : memref<2x2x64x64xf32, #tpu.memory_space<vmem>>, vector<1x1x64x64xf32>
    %get3A_70 = vector.shape_cast %get3A_69 : vector<1x1x64x64xf32> to vector<64x64xf32>
    %dot_general3A_71 = arith.constant dense<0.000000e+00> : vector<1000x64xf32>
    %dot_general3A_72 = tpu.matmul %max3A_20, %get3A_70, %dot_general3A_71 {dimension_numbers = #tpu.dot_dimension_numbers<[1], [0], [0], [1], [0, 0, 1, 1], [], []>, transpose_lhs_hint = false} : vector<1000x64xf32>, vector<64x64xf32>, vector<1000x64xf32> -> vector<1000x64xf32>
    %get3A_73 = arith.constant 1 : index
    %get3A_74 = arith.constant 1 : index
    %get3A_75 = arith.constant 0 : index
    %get3A_76 = arith.constant 0 : index
    %get3A_77 = vector.load %arg4[%get3A_73, %get3A_74, %get3A_75, %get3A_76] : memref<2x2x64x64xf32, #tpu.memory_space<vmem>>, vector<1x1x64x64xf32>
    %get3A_78 = vector.shape_cast %get3A_77 : vector<1x1x64x64xf32> to vector<64x64xf32>
    %dot_general3A_79 = arith.constant dense<0.000000e+00> : vector<1000x64xf32>
    %dot_general3A_80 = tpu.matmul %max3A_42, %get3A_78, %dot_general3A_79 {dimension_numbers = #tpu.dot_dimension_numbers<[1], [0], [0], [1], [0, 0, 1, 1], [], []>, transpose_lhs_hint = false} : vector<1000x64xf32>, vector<64x64xf32>, vector<1000x64xf32> -> vector<1000x64xf32>
    %add3A_81 = arith.addf %dot_general3A_72, %dot_general3A_80 : vector<1000x64xf32>
    %mul3A_82 = arith.mulf %get3A_1, %add3A_81 : vector<1000x64xf32>
    %swap3A_83 = arith.constant 1 : index
    %swap3A_84 = arith.constant 0 : index
    %swap3A_85 = arith.constant 0 : index
    %swap3A_86 = vector.load %arg6[%swap3A_83, %swap3A_84, %swap3A_85] : memref<2x1000x64xf32, #tpu.memory_space<vmem>>, vector<1x1000x64xf32>
    %swap3A_87 = vector.shape_cast %swap3A_86 : vector<1x1000x64xf32> to vector<1000x64xf32>
    %swap3A_88 = vector.shape_cast %mul3A_82 : vector<1000x64xf32> to vector<1x1000x64xf32>
    tpu.vector_store %arg6[%swap3A_83, %swap3A_84, %swap3A_85], %swap3A_88 {strides = array<i32>} : memref<2x1000x64xf32, #tpu.memory_space<vmem>>, vector<1x1000x64xf32>,
    return
  }
  func.func @transform_0(%arg0: i32) -> (i32, i32, i32) {
    %c0_i32 = arith.constant 0 : i32
    %c0_i32_0 = arith.constant 0 : i32
    %c0_i32_1 = arith.constant 0 : i32
    return %c0_i32, %arg0, %c0_i32_0 : i32, i32, i32
  }
  func.func @transform_1(%arg0: i32) -> (i32, i32, i32) {
    %c0_i32 = arith.constant 0 : i32
    %c0_i32_0 = arith.constant 0 : i32
    %c0_i32_1 = arith.constant 0 : i32
    return %c0_i32, %arg0, %c0_i32_0 : i32, i32, i32
  }
  func.func @transform_2(%arg0: i32) -> (i32, i32) {
    %c0_i32 = arith.constant 0 : i32
    %c0_i32_0 = arith.constant 0 : i32
    return %arg0, %c0_i32 : i32, i32
  }
  func.func @transform_3(%arg0: i32) -> (i32, i32, i32, i32) {
    %c0_i32 = arith.constant 0 : i32
    %c0_i32_0 = arith.constant 0 : i32
    %c0_i32_1 = arith.constant 0 : i32
    %c0_i32_2 = arith.constant 0 : i32
    %c0_i32_3 = arith.constant 0 : i32
    return %c0_i32, %c0_i32_0, %c0_i32_1, %c0_i32_2 : i32, i32, i32, i32
  }
  func.func @transform_4(%arg0: i32) -> (i32, i32, i32) {
    %c0_i32 = arith.constant 0 : i32
    %c0_i32_0 = arith.constant 0 : i32
    %c0_i32_1 = arith.constant 0 : i32
    %c0_i32_2 = arith.constant 0 : i32
    return %c0_i32, %c0_i32_0, %c0_i32_1 : i32, i32, i32
  }
  func.func @transform_5(%arg0: i32) -> (i32, i32, i32) {
    %c0_i32 = arith.constant 0 : i32
    %c0_i32_0 = arith.constant 0 : i32
    %c0_i32_1 = arith.constant 0 : i32
    return %c0_i32, %arg0, %c0_i32_0 : i32, i32, i32
  }
}

module attributes {stable_mosaic.version = 14 : i64} {
  func.func @_tc_last(%arg0: i32, %arg1: memref<2x1000x64xf32, #tpu.memory_space<vmem>>, %arg2: memref<2x1000x64xf32, #tpu.memory_space<vmem>>, %arg3: memref<1000x64xf32, #tpu.memory_space<vmem>>, %arg4: memref<2x1x64xf32, #tpu.memory_space<vmem>>, %arg5: memref<1000x64xf32, #tpu.memory_space<vmem>>, %arg6: memref<1000x64xf32, #tpu.memory_space<vmem>>) attributes {dimension_semantics = [#tpu.dimension_semantics<arbitrary>], iteration_bounds = array<i64: 10>, scalar_prefetch = 0 : i64, scratch_operands = 0 : i64, tpu.core_type = #tpu.core_type<tc>, window_params = [{transform_indices = @transform_0, window_bounds = array<i64: 2, 1000, 64>}, {transform_indices = @transform_1, window_bounds = array<i64: 2, 1000, 64>}, {transform_indices = @transform_2, window_bounds = array<i64: 1000, 64>}, {pipeline_mode = #tpu.pipeline_mode<synchronous>, transform_indices = @transform_3, window_bounds = array<i64: 2, 1, 64>}, {transform_indices = @transform_4, window_bounds = array<i64: 1000, 64>}, {transform_indices = @transform_5, window_bounds = array<i64: 1000, 64>}]} {
    %get3A = arith.constant 0 : index
    %get3A_0 = arith.constant 0 : index
    %get3A_1 = vector.load %arg3[%get3A, %get3A_0] : memref<1000x64xf32, #tpu.memory_space<vmem>>, vector<1000x64xf32>
    %get3A_2 = arith.constant 0 : index
    %get3A_3 = arith.constant 0 : index
    %get3A_4 = arith.constant 0 : index
    %get3A_5 = vector.load %arg1[%get3A_2, %get3A_3, %get3A_4] : memref<2x1000x64xf32, #tpu.memory_space<vmem>>, vector<1x1000x64xf32>
    %get3A_6 = vector.shape_cast %get3A_5 : vector<1x1000x64xf32> to vector<1000x64xf32>
    %get3A_7 = arith.constant 0 : index
    %get3A_8 = arith.constant 0 : index
    %get3A_9 = arith.constant 0 : index
    %get3A_10 = vector.load %arg2[%get3A_7, %get3A_8, %get3A_9] : memref<2x1000x64xf32, #tpu.memory_space<vmem>>, vector<1x1000x64xf32>
    %get3A_11 = vector.shape_cast %get3A_10 : vector<1x1000x64xf32> to vector<1000x64xf32>
    %add3A = arith.addf %get3A_6, %get3A_11 : vector<1000x64xf32>
    %mul3A = arith.mulf %get3A_1, %add3A : vector<1000x64xf32>
    %get3A_12 = arith.constant 0 : index
    %get3A_13 = arith.constant 0 : index
    %get3A_14 = arith.constant 0 : index
    %get3A_15 = vector.load %arg4[%get3A_12, %get3A_13, %get3A_14] : memref<2x1x64xf32, #tpu.memory_space<vmem>>, vector<1x1x64xf32>
    %get3A_16 = vector.shape_cast %get3A_15 : vector<1x1x64xf32> to vector<1x64xf32>
    %add3A_17 = vector.broadcast %get3A_16 : vector<1x64xf32> to vector<1000x64xf32>
    %add3A_18 = arith.addf %mul3A, %add3A_17 : vector<1000x64xf32>
    %swap3A = arith.constant 0 : index
    %swap3A_19 = arith.constant 0 : index
    %swap3A_20 = vector.load %arg5[%swap3A, %swap3A_19] : memref<1000x64xf32, #tpu.memory_space<vmem>>, vector<1000x64xf32>
    tpu.vector_store %arg5[%swap3A, %swap3A_19], %add3A_18 {strides = array<i32>} : memref<1000x64xf32, #tpu.memory_space<vmem>>, vector<1000x64xf32>,
    %get3A_21 = arith.constant 1 : index
    %get3A_22 = arith.constant 0 : index
    %get3A_23 = arith.constant 0 : index
    %get3A_24 = vector.load %arg1[%get3A_21, %get3A_22, %get3A_23] : memref<2x1000x64xf32, #tpu.memory_space<vmem>>, vector<1x1000x64xf32>
    %get3A_25 = vector.shape_cast %get3A_24 : vector<1x1000x64xf32> to vector<1000x64xf32>
    %get3A_26 = arith.constant 1 : index
    %get3A_27 = arith.constant 0 : index
    %get3A_28 = arith.constant 0 : index
    %get3A_29 = vector.load %arg2[%get3A_26, %get3A_27, %get3A_28] : memref<2x1000x64xf32, #tpu.memory_space<vmem>>, vector<1x1000x64xf32>
    %get3A_30 = vector.shape_cast %get3A_29 : vector<1x1000x64xf32> to vector<1000x64xf32>
    %add3A_31 = arith.addf %get3A_25, %get3A_30 : vector<1000x64xf32>
    %mul3A_32 = arith.mulf %get3A_1, %add3A_31 : vector<1000x64xf32>
    %get3A_33 = arith.constant 1 : index
    %get3A_34 = arith.constant 0 : index
    %get3A_35 = arith.constant 0 : index
    %get3A_36 = vector.load %arg4[%get3A_33, %get3A_34, %get3A_35] : memref<2x1x64xf32, #tpu.memory_space<vmem>>, vector<1x1x64xf32>
    %get3A_37 = vector.shape_cast %get3A_36 : vector<1x1x64xf32> to vector<1x64xf32>
    %add3A_38 = vector.broadcast %get3A_37 : vector<1x64xf32> to vector<1000x64xf32>
    %add3A_39 = arith.addf %mul3A_32, %add3A_38 : vector<1000x64xf32>
    %swap3A_40 = arith.constant 0 : index
    %swap3A_41 = arith.constant 0 : index
    %swap3A_42 = vector.load %arg6[%swap3A_40, %swap3A_41] : memref<1000x64xf32, #tpu.memory_space<vmem>>, vector<1000x64xf32>
    tpu.vector_store %arg6[%swap3A_40, %swap3A_41], %add3A_39 {strides = array<i32>} : memref<1000x64xf32, #tpu.memory_space<vmem>>, vector<1000x64xf32>,
    return
  }
  func.func @transform_0(%arg0: i32) -> (i32, i32, i32) {
    %c0_i32 = arith.constant 0 : i32
    %c0_i32_0 = arith.constant 0 : i32
    %c0_i32_1 = arith.constant 0 : i32
    return %c0_i32, %arg0, %c0_i32_0 : i32, i32, i32
  }
  func.func @transform_1(%arg0: i32) -> (i32, i32, i32) {
    %c0_i32 = arith.constant 0 : i32
    %c0_i32_0 = arith.constant 0 : i32
    %c0_i32_1 = arith.constant 0 : i32
    return %c0_i32, %arg0, %c0_i32_0 : i32, i32, i32
  }
  func.func @transform_2(%arg0: i32) -> (i32, i32) {
    %c0_i32 = arith.constant 0 : i32
    %c0_i32_0 = arith.constant 0 : i32
    return %arg0, %c0_i32 : i32, i32
  }
  func.func @transform_3(%arg0: i32) -> (i32, i32, i32) {
    %c0_i32 = arith.constant 0 : i32
    %c0_i32_0 = arith.constant 0 : i32
    %c0_i32_1 = arith.constant 0 : i32
    %c0_i32_2 = arith.constant 0 : i32
    return %c0_i32, %c0_i32_0, %c0_i32_1 : i32, i32, i32
  }
  func.func @transform_4(%arg0: i32) -> (i32, i32) {
    %c0_i32 = arith.constant 0 : i32
    %c0_i32_0 = arith.constant 0 : i32
    return %arg0, %c0_i32 : i32, i32
  }
  func.func @transform_5(%arg0: i32) -> (i32, i32) {
    %c0_i32 = arith.constant 0 : i32
    %c0_i32_0 = arith.constant 0 : i32
    return %arg0, %c0_i32 : i32, i32
  }
}

</mosaic_0001>

<sc_bundles>
// kernel: kernel.11.cloned.1.call-start
scs
__scs_entry_jumppad:
0x0: {  	(pc) =	sbr.rel $0x88, $3  }
0x1: {  	(tag) =	ssettag $0x0;
	lr =	simm.s32 $0x1  }
0x2: {  	[smem:$0x3F99] =	sst lr;
	_ =	strace $0xD0000000  }
0x3: {  	_ = 	snop  }
0x4: {  	_ = 	snop  }
0x5: {  	_ = 	snop  }
0x6: {  	_ = 	snop  }
0x7: {  	_ = 	snop  }
__scs_overlays_trampoline_lowered:
0x8: {  	[smem:$0x3FA8] =	sst s0  }
0x9: {  	[smem:$0x3FA9] =	sst s1  }
0xa: {  	[smem:$0x3FAA] =	sst s2  }
0xb: {  	[smem:$0x3FAB] =	sst s3  }
0xc: {  	[smem:$0x3FAC] =	sst s4  }
0xd: {  	[smem:$0x3FAD] =	sst s5  }
0xe: {  	[smem:$0x3FAE] =	sst s6  }
0xf: {  	[smem:$0x3FAF] =	sst s7  }
0x10: {  	[smem:$0x3FB0] =	sst s8  }
0x11: {  	[smem:$0x3FB1] =	sst s9;
	s0 =	simm.s32 @!p0 $0x0  }
0x12: {  	s1 =	sld [smem:$0x3F97];
	s0 =	simm.s32 @p0 $0x1  }
0x13: {  	[smem:$0x3FB2] =	sst s0;
	s0 =	simm.s32 @!p1 $0x0  }
0x14: {  	s2 =	sld [smem:$0x3F96];
	s0 =	simm.s32 @p1 $0x1  }
0x15: {  	[smem:$0x3FB3] =	sst s0;
	s0 =	simm.s32 @!p2 $0x0  }
0x16: {  	s3 =	sld [smem:$0x3FDB];
	s0 =	simm.s32 @p2 $0x1  }
0x17: {  	s4 =	simm.s32 $0x1BF5;
	[smem:$0x3FB5] =	sst s0  }
0x18: {  	s0 =	sld [smem:$0x3F98];
	_ =	swait.ge [sflag:s4], $0x0  }
0x19: {  	s7 =	sld [smem:$0x3F99]  }
0x1a: {  	s8 =	sadd.s32 $0xFFFFE003, lr  }
0x1b: {  	s9 =	sadd.s32 $0xFFFFFEF7, lr;
	s5 =	simm.s32 $0xFFFFFFFF;
	p2 =	slt.u32 s8, $0xFFFFF086  }
0x1c: {  	p1 =	slt.u32 s9, $0xF7A;
	s5 =	simm.s32 @!p2 $0x0  }
0x1d: {  	s5 =	simm.s32 @p1 $0x1;
	p0 =	seq.s32 s7, s2  }
0x1e: {  	s7 =	smul.u32 @!p0 $0xF7A, s2;
	p2 =	seq.s32 @!p0 s5, $0x0  }
0x1f: {  	s9 =	smul.u32 $0xF7A, s1;
	s8 =	simm.s32 @!p0 $0x1BF5;
	p2 =	por !p2, p0  }
0x20: {  	[sflag:s8] =	ssyncset.s32 @!p0 $0xFFFFF086;
	s6 =	sadd.s32 @!p0 s3, s7;
	s7 =	simm.s32 @!p0 $0x108  }
0x21: {  	s3 =	sadd.s32 s3, s9;
	s6 =	sadd.s32 @!p0 $0x88, s6;
	s7 =	simm.s32 @p2 $0x1082  }
0x22: {  	[simem:s7], [sflag:s8] =	dma.local @!p0 [hbm:s6], $0xF7A  }
0x23: {  	s9 =	sor.u32 $0xD0000000, s2;
	s6 =	simm.s32 $0x108;
	_ =	swait.ge @!p0 [sflag:s8], $0x0  }
0x24: {  	s3 =	sadd.s32 $0x88, s3;
	s6 =	simm.s32 @!p1 $0x1082;
	[sflag:s4] =	ssyncset.s32 $0xFFFFF086  }
0x25: {  	[simem:s6], [sflag:s4] =	dma.local [hbm:s3], $0xF7A  }
0x26: {  	[smem:$0x3F99] =	sst s1;
	(tag) =	ssettag s2;
	_ =	strace s9  }
0x27: {  	s1 =	sld [smem:$0x3FA9]  }
0x28: {  	s2 =	sld [smem:$0x3FAA]  }
0x29: {  	s4 =	sld [smem:$0x3FAC]  }
0x2a: {  	p0 =	seq.s32 s5, $0x0;
	s5 =	sld [smem:$0x3FAD]  }
0x2b: {  	s6 =	sld [smem:$0x3FAE]  }
0x2c: {  	s7 =	sld [smem:$0x3FAF]  }
0x2d: {  	s3 =	simm.s32 $0x108;
	s8 =	sld [smem:$0x3FB0]  }
0x2e: {  	s3 =	simm.s32 @!p0 $0x1082;
	s9 =	sld [smem:$0x3FB1]  }
0x2f: {  	lr =	sadd.s32 s0, s3;
	s0 =	sld [smem:$0x3FA8]  }
0x30: {  	s3 =	sld [smem:$0x3FAB]  }
0x31: {  	[smem:$0x3FB4] =	sst s10  }
0x32: {  	s10 =	sld [smem:$0x3FB2];
	_ =	sdelay $0x3  }
0x33: {  	p0 =	seq.s32 s10, $0x1;
	s10 =	sld [smem:$0x3FB4];
	_ =	sdelay $0x3  }
0x34: {  	[smem:$0x3FB4] =	sst s10  }
0x35: {  	s10 =	sld [smem:$0x3FB3];
	_ =	sdelay $0x3  }
0x36: {  	p1 =	seq.s32 s10, $0x1;
	s10 =	sld [smem:$0x3FB4];
	_ =	sdelay $0x3  }
0x37: {  	[smem:$0x3FB4] =	sst s10  }
0x38: {  	s10 =	sld [smem:$0x3FB5]  }
0x39: {  	_ = 	snop;
	(pc) =	sbr.ind lr, $3  }
0x3a: {  	_ = 	snop  }
0x3b: {  	_ = 	snop  }
0x3c: {  	p2 =	seq.s32 s10, $0x1;
	s10 =	sld [smem:$0x3FB4]  }
0x3d: {  	_ =	shalt  }
0x3e: {  	_ =	shalt  }
0x3f: {  	_ =	shalt  }
0x40: {  	_ =	shalt  }
0x41: {  	_ =	shalt  }
0x42: {  	_ =	shalt  }
0x43: {  	_ =	shalt  }
0x44: {  	_ =	shalt  }
0x45: {  	_ =	shalt  }
0x46: {  	_ =	shalt  }
0x47: {  	_ =	shalt  }
0x48: {  	_ =	shalt  }
0x49: {  	_ =	shalt  }
0x4a: {  	_ =	shalt  }
0x4b: {  	_ =	shalt  }
0x4c: {  	_ =	shalt  }
0x4d: {  	_ =	shalt  }
0x4e: {  	_ =	shalt  }
0x4f: {  	_ =	shalt  }
0x50: {  	_ =	shalt  }
0x51: {  	_ =	shalt  }
0x52: {  	_ =	shalt  }
0x53: {  	_ =	shalt  }
0x54: {  	_ =	shalt  }
0x55: {  	_ =	shalt  }
0x56: {  	_ =	shalt  }
0x57: {  	_ =	shalt  }
0x58: {  	_ =	shalt  }
0x59: {  	_ =	shalt  }
0x5a: {  	_ =	shalt  }
0x5b: {  	_ =	shalt  }
0x5c: {  	_ =	shalt  }
0x5d: {  	_ =	shalt  }
0x5e: {  	_ =	shalt  }
0x5f: {  	_ =	shalt  }
0x60: {  	_ =	shalt  }
0x61: {  	_ =	shalt  }
0x62: {  	_ =	shalt  }
0x63: {  	_ =	shalt  }
0x64: {  	_ =	shalt  }
0x65: {  	_ =	shalt  }
0x66: {  	_ =	shalt  }
0x67: {  	_ =	shalt  }
0x68: {  	_ =	shalt  }
0x69: {  	_ =	shalt  }
0x6a: {  	_ =	shalt  }
0x6b: {  	_ =	shalt  }
0x6c: {  	_ =	shalt  }
0x6d: {  	_ =	shalt  }
0x6e: {  	_ =	shalt  }
0x6f: {  	_ =	shalt  }
0x70: {  	_ =	shalt  }
0x71: {  	_ =	shalt  }
0x72: {  	_ =	shalt  }
0x73: {  	_ =	shalt  }
0x74: {  	_ =	shalt  }
0x75: {  	_ =	shalt  }
0x76: {  	_ =	shalt  }
0x77: {  	_ =	shalt  }
0x78: {  	_ =	shalt  }
0x79: {  	_ =	shalt  }
0x7a: {  	_ =	shalt  }
0x7b: {  	_ =	shalt  }
0x7c: {  	_ =	shalt  }
0x7d: {  	_ =	shalt  }
0x7e: {  	_ =	shalt  }
0x7f: {  	_ =	shalt  }
0x80: {  	_ =	shalt  }
0x81: {  	_ =	shalt  }
0x82: {  	_ =	shalt  }
0x83: {  	_ =	shalt  }
0x84: {  	_ =	shalt  }
0x85: {  	_ =	shalt  }
0x86: {  	_ =	shalt  }
0x87: {  	_ =	shalt  }
.Lfunc_end0:
.L_simem_size_0:
called_computation_lowered:
.L_overlay_start_0:
0x88: {  	s2 =	sld [smem:$0x3FD9]  }
0x89: {  	s3 =	sld [smem:$0x3FFE];
	_ =	sdelay $0x1  }
0x8a: {  	s1 =	srdreg.scid  }
0x8b: {  	s0 =	sand.u32 $0x1, s1  }
0x8c: {  	s17 =	sshll.u32 s0, $0xA;
	s2 =	sadd.s32 s3, s2  }
0x8d: {  	s2 =	sadd.s32 s2, s17  }
0x8e: {  	[smem:$0x3FC0] =	sst s2  }
0x8f: {  	_ = 	snop  }
0x90: {  	s2 =	sld [smem:$0x3FD0];
	(tm) =	ssettm $0x1  }
0x91: {  	s18 =	sld [smem:$0x3FFB];
	_ =	sdelay $0x3  }
0x92: {  	_ =	strace s18  }
0x93: {  	s3 =	sld [smem:$0x3FFC];
	_ =	sdelay $0x3  }
0x94: {  	_ =	strace s3  }
0x95: {  	s3 =	sld [smem:$0x3FFD];
	_ =	sdelay $0x3  }
0x96: {  	_ =	strace s3  }
0x97: {  	_ =	strace $0x8FFFFFFF  }
0x98: {  	s19 =	sld [smem:$0x3FDB];
	_ =	sdelay $0x1  }
0x99: {  	s4 =	simm.s32 $_scs_section_size  }
0x9a: {  	s5 =	simm.s32 $_size__tile_overlayer_lowered;
	s6 =	simm.s32 $_tile_overlayer_lowered  }
0x9b: {  	s22 =	simm.s32 $0x1BFF;
	s21 =	sshll.u32 s6, $0x1;
	s3 =	sadd.s32 s4, s19  }
0x9c: {  	s7 =	simm.s32 $0x0;
	s20 =	sshll.u32 s5, $0x1;
	s5 =	sadd.s32 s21, s3  }
0x9d: {  	[timem:s7], [sflag:s22] =	dma.local [hbm:s5], s20  }
0x9e: {  	_ =	swait.ge [sflag:s22], s20  }
0x9f: {  	s4 =	ssub.s32 $0x0, s20;
	[sflag:s22] =	ssyncset.done $0x0  }
0xa0: {  	[sflag:s22] =	ssyncadd.s32 s4;
	_ =	sdelay $0x1  }
0xa1: {  	s23 =	simm.s32 $0x1B8B  }
0xa2: {  	_ =	swait.ge [sflag:s23], $0x1  }
0xa3: {  	[sflag:s23] =	ssyncset.done $0x0  }
0xa4: {  	s25 =	simm.s32 $0x1B8E;
	s24 =	sld [smem:$0x3FFE];
	[sflag:s23] =	ssyncadd.s32 $0xFFFFFFFF  }
0xa5: {  	s26 =	simm.s32 $execute0_lowered;
	[smem:$0x3FD2] =	sst s25  }
0xa6: {  	s5 =	sshll.u32 s26, $0x1;
	_ =	strace $0x80000046;
	[dreg:$0x1] =	wrdreg $0xFFFFFFFF  }
0xa7: {  	s28 =	simm.s32 $_size_execute0_lowered;
	s3 =	sadd.s32 s3, s5;
	[dreg:$0x0] =	wrdreg $0x0  }
0xa8: {  	s5 =	sshll.u32 s28, $0x1;
	[dreg:$0x2] =	wrdreg s3  }
0xa9: {  	[dreg:$0x3] =	wrdreg s5  }
0xaa: {  	[dreg:$0x4] =	wrdreg $0xC0  }
0xab: {  	_ =	task [dreg:s7], $0x5FFFF  }
0xac: {  	[dreg:$0x1] =	wrdreg $0xFFFFFFFF  }
0xad: {  	[dreg:$0x0] =	wrdreg $0x60  }
0xae: {  	[dreg:$0x2] =	wrdreg s24  }
0xaf: {  	[dreg:$0x3] =	wrdreg s2  }
0xb0: {  	[dreg:$0x4] =	wrdreg $0x3FC00  }
0xb1: {  	[dreg:$0x5] =	wrdreg $0x9  }
0xb2: {  	_ =	task.clear_ibuf [dreg:s7], $0x6FFFF;
	_ =	strace $0x90000046  }
0xb3: {  	s29 =	simm.s32 $0x9;
	_ =	strace $0x80000048  }
0xb4: {  	_ =	swait.ge [sflag:s29], $0x1  }
0xb5: {  	[sflag:s29] =	ssyncadd.s32 $0xFFFFFFFF  }
0xb6: {  	_ =	strace $0x90000048  }
0xb7: {  	_ =	sfence  }
0xb8: {  	s30 =	sld [smem:$0x0];
	_ =	sdelay $0x2  }
0xb9: {  	s31 =	sshll.u32 s1, $0xD;
	s1 =	sshrl.u32 s1, $0x2  }
0xba: {  	s3 =	sand.u32 $0x4000, s31;
	s1 =	sadd.s32 s1, s30  }
0xbb: {  	s0 =	sor.u32 s3, s0;
	s1 =	sshll.u32 s1, $0x11  }
0xbc: {  	s0 =	sor.u32 s1, s0  }
0xbd: {  	s0 =	sadd.s32 $0x8F2B, s0  }
0xbe: {  	[sflag:s0] =	ssyncadd.remote.s32 $0x1  }
0xbf: {  	_ =	sfence.sel $0xFFFF  }
0xc0: {  	[dreg:$0x0] =	wrdreg $0xFFFFFFFF;
	(pc) =	sbr.abs _section_cstart, $3  }
0xc1: {  	[dreg:$0x1] =	wrdreg $0xFFFFFFFF  }
0xc2: {  	_ =	task.clear_ibuf [dreg:s7], $0x2FFFF;
	_ =	strace $0x9FFFFFFF  }
0xc3: {  	(tm) =	ssettm $0x7FFFFFFF  }
tec
execute0_lowered:
.L_overlay_start_1:
0x0: {  	(tag) =	ssettag $0x1  }
0x1: {  	s4 =	rddreg [dreg:$0x0]  }
0x2: {  	s6 =	rddreg [dreg:$0x1]  }
0x3: {  	s0 =	srdreg.scid;
	s2 =	rddreg [dreg:$0x2]  }
0x4: {  	s3 =	simm.s32 $0x0;
	s10 =	simm.s32 $0x80;
	s11 =	simm.s32 $0x2800  }
0x5: {  	s12 =	simm.s32 $0x0;
	s5 =	sand.u32 $0x1, s0;
	s0 =	stileid.u32  }
0x6: {  	[smem:$0x7FF] =	sst s3;
	s1 =	sshll.u32 s5, $0x4;
	s8 =	smul.u32 $0x278, s0  }
0x7: {  	s9 =	ssub.s32 $0x2, s5;
	s5 =	smul.u32 $0x2718, s5;
	s7 =	sor.u32 s0, s1  }
0x8: {  	s1 =	rddreg [dreg:$0x3];
	_ =	strace $0x80000047;
	s30 =	sshrl.u32 s9, $0x1  }
0x9: {  	s7 =	smul.u32 $0x500, s7;
	s8 =	smin.u32 s8, $0x24A0;
	s6 =	sadd.s32 s6, s5  }
0xa: {  	s31 =	sshll.u32 s8, $0x3;
	s6 =	sadd.s32 s8, s6;
	s8 =	simm.s32 $0x1  }
0xb: {  	s4 =	sadd.s32 s7, s4;
	s7 =	ssub.s32 s9, s30;
	s5 =	sadd.s32 s31, s2  }
0xc: {  	v0 =	vimm.f32 $0.0e+00;
	v1 =	vimm.f32 $1.000000000e+00;
	s9 =	simm.s32 $0x2C00;
	s4 =	sadd.s32 $0x1E00, s4;
	s7 =	smax.u32 s7, $0x1  }
.LBB2_1:
0xd: {  	[tilespmem:s3], [sflag:$0x1] =	stream.linear.gather [hbm4b:s4+s3], $0x2800, $0x38;
	[tilespmem:$0x5350] =	vst v63  }
0xe: {  	_ =	swait.ge [sflag:s8], $0x2800  }
0xf: {  	[sflag:s8] =	ssyncset.done $0x0  }
0x10: {  	s13 =	simm.s32 $0x0;
	[sflag:s8] =	ssyncadd.s32 $0xFFFFD800  }
.LBB2_2:
0x11: {  	p0 =	sne.s32 s13, $0x4EE0  }
.Ltmp0:
0x12: {  	_ = 	snop;
	(pc) =	sbr.rel @p0 .LBB2_2-.Ltmp0, $3  }
0x13: {  	_ =	sdelay $0x1  }
0x14: {  	s14 =	sshra.s32 s13, $0x2  }
0x15: {  	s13 =	sadd.s32 $0x20, s13;
	[tilespmem:s14+$0x2C00] =	vst.msk $0xff, v0  }
0x16: {  	s13 =	simm.s32 $0x20;
	s14 =	simm.s32 $0x0  }
.LBB2_4:
0x17: {  	p0 =	sne.s32 s13, $0xFE0;
	[tilespmem:s14+$0x2800] =	vst.msk $0xff, v1;
	s14 =	smov.u32 s13;
	s13 =	sadd.s32 $0x20, s13  }
.Ltmp1:
0x18: {  	(pc) =	sbr.rel @p0 .LBB2_4-.Ltmp1, $2  }
0x19: {  	_ =	sdelay $0x2  }
0x1a: {  	s14 =	sshra.s32 s14, $0x2  }
0x1b: {  	[tilespmem:s14+$0x2800] =	vst.msk $0xff, v1  }
0x1c: {  	[spmem:s5] =	stream.linear.scatter [tilespmem:s9], [sflag:$0x1], $0x13C0, $0x38;
	[tilespmem:$0x5350] =	vst v63  }
0x1d: {  	_ =	swait.ge [sflag:s8], $0x13C0  }
0x1e: {  	[sflag:s8] =	ssyncset.done $0x0  }
0x1f: {  	[sflag:s8] =	ssyncadd.s32 $0xFFFFEC40  }
0x20: {  	s13 =	simm.s32 $0x0;
	[bflag:$0x0] =	sbarrier.arrive $0xFFFF  }
0x21: {  	[spmem:s2] =	stream.indirect.scatter.add.f32 [tilespmem:s11], [sflag:$0x1], $0x8, s13, s10, $0xb8;
	[tilespmem:$0x5350] =	vst v63  }
0x22: {  	_ =	swait.ge [sflag:s8], $0x400  }
0x23: {  	s13 =	simm.s32 $0x200;
	[sflag:s8] =	ssyncset.done $0x0  }
.LBB2_6:
0x24: {  	s14 =	sshra.s32 s13, $0x2;
	[sflag:s8] =	ssyncadd.s32 $0xFFFFFC00;
	p0 =	sne.s32 s13, $0x9E00  }
0x25: {  	[spmem:s2] =	stream.indirect.scatter.add.f32 [tilespmem:s11], [sflag:$0x1], $0x8, s14, s10, $0xb8;
	[tilespmem:$0x5350] =	vst v63  }
.Ltmp2:
0x26: {  	_ = 	snop;
	(pc) =	sbr.rel @p0 .LBB2_6-.Ltmp2, $4  }
0x27: {  	_ = 	snop  }
0x28: {  	s13 =	sadd.s32 $0x200, s13  }
0x29: {  	_ =	swait.ge [sflag:s8], $0x400  }
0x2a: {  	[sflag:s8] =	ssyncset.done $0x0  }
0x2b: {  	[sflag:s8] =	ssyncadd.s32 $0xFFFFFC00  }
0x2c: {  	[bflag:$0x0] =	sbarrier.arrive $0xFFFF  }
0x2d: {  	[tilespmem:s9], [sflag:$0x1] =	stream.linear.gather [spmem:s5], $0x13C0, $0x38;
	[tilespmem:$0x5350] =	vst v63  }
0x2e: {  	s12 =	sadd.s32 $0x1, s12;
	_ =	swait.ge [sflag:s8], $0x13C0  }
0x2f: {  	p0 =	sne.s32 s12, s7;
	[sflag:s8] =	ssyncset.done $0x0  }
.Ltmp3:
0x30: {  	[sflag:s8] =	ssyncadd.s32 $0xFFFFEC40;
	(pc) =	sbr.rel @p0 .LBB2_1-.Ltmp3, $4  }
0x31: {  	[hbm4b:s6+s3] =	stream.linear.scatter [tilespmem:s9], [sflag:$0x1], $0x13C0, $0x38;
	[tilespmem:$0x5350] =	vst v63  }
0x32: {  	_ =	swait.ge [sflag:s8], $0x13C0  }
0x33: {  	[sflag:s8] =	ssyncset.done $0x0  }
0x34: {  	[sflag:s8] =	ssyncadd.s32 $0xFFFFEC40  }
0x35: {  	_ =	sfence.sel $0x180000  }
0x36: {  	[bflag:$0x0] =	sbarrier.arrive $0xFFFF  }
0x37: {  	p0 =	sne.s32 s0, $0x0;
	_ =	strace $0x90000047  }
0x38: {  	s0 =	sadd.s32 @!p0 $0x100000, s1;
	[bflag:$0x2] =	sbarrier.arrive $0xFFFF  }
0x39: {  	[sflag:s0] =	ssyncadd.tile.s32 @!p0 $0x1;
	_ =	shalt  }
.Lfunc_end2:
_tile_overlayer_lowered:
.L_overlay_start_2:
0x3a: {  	(tag) =	ssettag $0x2  }
0x3b: {  	s0 =	rddreg [dreg:$0x0];
	s2 =	stileid.u32  }
0x3c: {  	s1 =	rddreg [dreg:$0x1];
	p0 =	sne.s32 s2, $0x0  }
0x3d: {  	s3 =	rddreg [dreg:$0x2];
	[bflag:$0x3] =	sbarrier.arrive $0xFFFF;
	s2 =	simm.s32 @!p0 $0x1C01  }
0x3e: {  	[timem:s3], [sflag:s2] =	dma.local @!p0 [hbm:s0], s1  }
0x3f: {  	s0 =	simm.s32 @!p0 $0x1  }
0x40: {  	_ =	swait.ge @!p0 [sflag:s0], s1  }
0x41: {  	s1 =	ssub.s32 @!p0 $0x0, s1;
	[sflag:s0] =	ssyncset.done @!p0 $0x0  }
0x42: {  	[sflag:s0] =	ssyncadd.s32 @!p0 s1  }
0x43: {  	[bflag:$0x3] =	sbarrier.arrive $0xFFFF  }
0x44: {  	_ =	shalt  }

// kernel: kernel.14.cloned.1.call-start
scs
__scs_entry_jumppad:
0x0: {  	(pc) =	sbr.rel $0x88, $3  }
0x1: {  	(tag) =	ssettag $0x0;
	lr =	simm.s32 $0x1  }
0x2: {  	[smem:$0x3F99] =	sst lr;
	_ =	strace $0xD0000000  }
0x3: {  	_ = 	snop  }
0x4: {  	_ = 	snop  }
0x5: {  	_ = 	snop  }
0x6: {  	_ = 	snop  }
0x7: {  	_ = 	snop  }
__scs_overlays_trampoline_lowered:
0x8: {  	[smem:$0x3FA8] =	sst s0  }
0x9: {  	[smem:$0x3FA9] =	sst s1  }
0xa: {  	[smem:$0x3FAA] =	sst s2  }
0xb: {  	[smem:$0x3FAB] =	sst s3  }
0xc: {  	[smem:$0x3FAC] =	sst s4  }
0xd: {  	[smem:$0x3FAD] =	sst s5  }
0xe: {  	[smem:$0x3FAE] =	sst s6  }
0xf: {  	[smem:$0x3FAF] =	sst s7  }
0x10: {  	[smem:$0x3FB0] =	sst s8  }
0x11: {  	[smem:$0x3FB1] =	sst s9;
	s0 =	simm.s32 @!p0 $0x0  }
0x12: {  	s1 =	sld [smem:$0x3F97];
	s0 =	simm.s32 @p0 $0x1  }
0x13: {  	[smem:$0x3FB2] =	sst s0;
	s0 =	simm.s32 @!p1 $0x0  }
0x14: {  	s2 =	sld [smem:$0x3F96];
	s0 =	simm.s32 @p1 $0x1  }
0x15: {  	[smem:$0x3FB3] =	sst s0;
	s0 =	simm.s32 @!p2 $0x0  }
0x16: {  	s3 =	sld [smem:$0x3FDB];
	s0 =	simm.s32 @p2 $0x1  }
0x17: {  	s4 =	simm.s32 $0x1BF5;
	[smem:$0x3FB5] =	sst s0  }
0x18: {  	s0 =	sld [smem:$0x3F98];
	_ =	swait.ge [sflag:s4], $0x0  }
0x19: {  	s7 =	sld [smem:$0x3F99]  }
0x1a: {  	s8 =	sadd.s32 $0xFFFFE003, lr  }
0x1b: {  	s9 =	sadd.s32 $0xFFFFFEF7, lr;
	s5 =	simm.s32 $0xFFFFFFFF;
	p2 =	slt.u32 s8, $0xFFFFF086  }
0x1c: {  	p1 =	slt.u32 s9, $0xF7A;
	s5 =	simm.s32 @!p2 $0x0  }
0x1d: {  	s5 =	simm.s32 @p1 $0x1;
	p0 =	seq.s32 s7, s2  }
0x1e: {  	s7 =	smul.u32 @!p0 $0xF7A, s2;
	p2 =	seq.s32 @!p0 s5, $0x0  }
0x1f: {  	s9 =	smul.u32 $0xF7A, s1;
	s8 =	simm.s32 @!p0 $0x1BF5;
	p2 =	por !p2, p0  }
0x20: {  	[sflag:s8] =	ssyncset.s32 @!p0 $0xFFFFF086;
	s6 =	sadd.s32 @!p0 s3, s7;
	s7 =	simm.s32 @!p0 $0x108  }
0x21: {  	s3 =	sadd.s32 s3, s9;
	s6 =	sadd.s32 @!p0 $0x88, s6;
	s7 =	simm.s32 @p2 $0x1082  }
0x22: {  	[simem:s7], [sflag:s8] =	dma.local @!p0 [hbm:s6], $0xF7A  }
0x23: {  	s9 =	sor.u32 $0xD0000000, s2;
	s6 =	simm.s32 $0x108;
	_ =	swait.ge @!p0 [sflag:s8], $0x0  }
0x24: {  	s3 =	sadd.s32 $0x88, s3;
	s6 =	simm.s32 @!p1 $0x1082;
	[sflag:s4] =	ssyncset.s32 $0xFFFFF086  }
0x25: {  	[simem:s6], [sflag:s4] =	dma.local [hbm:s3], $0xF7A  }
0x26: {  	[smem:$0x3F99] =	sst s1;
	(tag) =	ssettag s2;
	_ =	strace s9  }
0x27: {  	s1 =	sld [smem:$0x3FA9]  }
0x28: {  	s2 =	sld [smem:$0x3FAA]  }
0x29: {  	s4 =	sld [smem:$0x3FAC]  }
0x2a: {  	p0 =	seq.s32 s5, $0x0;
	s5 =	sld [smem:$0x3FAD]  }
0x2b: {  	s6 =	sld [smem:$0x3FAE]  }
0x2c: {  	s7 =	sld [smem:$0x3FAF]  }
0x2d: {  	s3 =	simm.s32 $0x108;
	s8 =	sld [smem:$0x3FB0]  }
0x2e: {  	s3 =	simm.s32 @!p0 $0x1082;
	s9 =	sld [smem:$0x3FB1]  }
0x2f: {  	lr =	sadd.s32 s0, s3;
	s0 =	sld [smem:$0x3FA8]  }
0x30: {  	s3 =	sld [smem:$0x3FAB]  }
0x31: {  	[smem:$0x3FB4] =	sst s10  }
0x32: {  	s10 =	sld [smem:$0x3FB2];
	_ =	sdelay $0x3  }
0x33: {  	p0 =	seq.s32 s10, $0x1;
	s10 =	sld [smem:$0x3FB4];
	_ =	sdelay $0x3  }
0x34: {  	[smem:$0x3FB4] =	sst s10  }
0x35: {  	s10 =	sld [smem:$0x3FB3];
	_ =	sdelay $0x3  }
0x36: {  	p1 =	seq.s32 s10, $0x1;
	s10 =	sld [smem:$0x3FB4];
	_ =	sdelay $0x3  }
0x37: {  	[smem:$0x3FB4] =	sst s10  }
0x38: {  	s10 =	sld [smem:$0x3FB5]  }
0x39: {  	_ = 	snop;
	(pc) =	sbr.ind lr, $3  }
0x3a: {  	_ = 	snop  }
0x3b: {  	_ = 	snop  }
0x3c: {  	p2 =	seq.s32 s10, $0x1;
	s10 =	sld [smem:$0x3FB4]  }
0x3d: {  	_ =	shalt  }
0x3e: {  	_ =	shalt  }
0x3f: {  	_ =	shalt  }
0x40: {  	_ =	shalt  }
0x41: {  	_ =	shalt  }
0x42: {  	_ =	shalt  }
0x43: {  	_ =	shalt  }
0x44: {  	_ =	shalt  }
0x45: {  	_ =	shalt  }
0x46: {  	_ =	shalt  }
0x47: {  	_ =	shalt  }
0x48: {  	_ =	shalt  }
0x49: {  	_ =	shalt  }
0x4a: {  	_ =	shalt  }
0x4b: {  	_ =	shalt  }
0x4c: {  	_ =	shalt  }
0x4d: {  	_ =	shalt  }
0x4e: {  	_ =	shalt  }
0x4f: {  	_ =	shalt  }
0x50: {  	_ =	shalt  }
0x51: {  	_ =	shalt  }
0x52: {  	_ =	shalt  }
0x53: {  	_ =	shalt  }
0x54: {  	_ =	shalt  }
0x55: {  	_ =	shalt  }
0x56: {  	_ =	shalt  }
0x57: {  	_ =	shalt  }
0x58: {  	_ =	shalt  }
0x59: {  	_ =	shalt  }
0x5a: {  	_ =	shalt  }
0x5b: {  	_ =	shalt  }
0x5c: {  	_ =	shalt  }
0x5d: {  	_ =	shalt  }
0x5e: {  	_ =	shalt  }
0x5f: {  	_ =	shalt  }
0x60: {  	_ =	shalt  }
0x61: {  	_ =	shalt  }
0x62: {  	_ =	shalt  }
0x63: {  	_ =	shalt  }
0x64: {  	_ =	shalt  }
0x65: {  	_ =	shalt  }
0x66: {  	_ =	shalt  }
0x67: {  	_ =	shalt  }
0x68: {  	_ =	shalt  }
0x69: {  	_ =	shalt  }
0x6a: {  	_ =	shalt  }
0x6b: {  	_ =	shalt  }
0x6c: {  	_ =	shalt  }
0x6d: {  	_ =	shalt  }
0x6e: {  	_ =	shalt  }
0x6f: {  	_ =	shalt  }
0x70: {  	_ =	shalt  }
0x71: {  	_ =	shalt  }
0x72: {  	_ =	shalt  }
0x73: {  	_ =	shalt  }
0x74: {  	_ =	shalt  }
0x75: {  	_ =	shalt  }
0x76: {  	_ =	shalt  }
0x77: {  	_ =	shalt  }
0x78: {  	_ =	shalt  }
0x79: {  	_ =	shalt  }
0x7a: {  	_ =	shalt  }
0x7b: {  	_ =	shalt  }
0x7c: {  	_ =	shalt  }
0x7d: {  	_ =	shalt  }
0x7e: {  	_ =	shalt  }
0x7f: {  	_ =	shalt  }
0x80: {  	_ =	shalt  }
0x81: {  	_ =	shalt  }
0x82: {  	_ =	shalt  }
0x83: {  	_ =	shalt  }
0x84: {  	_ =	shalt  }
0x85: {  	_ =	shalt  }
0x86: {  	_ =	shalt  }
0x87: {  	_ =	shalt  }
.Lfunc_end0:
.L_simem_size_0:
called_computation.1_lowered:
.L_overlay_start_0:
0x88: {  	s2 =	sld [smem:$0x3FD9]  }
0x89: {  	s3 =	sld [smem:$0x3FFE];
	_ =	sdelay $0x1  }
0x8a: {  	s1 =	srdreg.scid  }
0x8b: {  	s0 =	sand.u32 $0x1, s1  }
0x8c: {  	s17 =	sshll.u32 s0, $0xA;
	s2 =	sadd.s32 s3, s2  }
0x8d: {  	s2 =	sadd.s32 s2, s17  }
0x8e: {  	[smem:$0x3FC0] =	sst s2  }
0x8f: {  	_ = 	snop  }
0x90: {  	s2 =	sld [smem:$0x3FD0];
	(tm) =	ssettm $0x1  }
0x91: {  	s18 =	sld [smem:$0x3FFB];
	_ =	sdelay $0x3  }
0x92: {  	_ =	strace s18  }
0x93: {  	s3 =	sld [smem:$0x3FFC];
	_ =	sdelay $0x3  }
0x94: {  	_ =	strace s3  }
0x95: {  	s3 =	sld [smem:$0x3FFD];
	_ =	sdelay $0x3  }
0x96: {  	_ =	strace s3  }
0x97: {  	_ =	strace $0x8FFFFFFF  }
0x98: {  	s19 =	sld [smem:$0x3FDB];
	_ =	sdelay $0x1  }
0x99: {  	s4 =	simm.s32 $_scs_section_size  }
0x9a: {  	s5 =	simm.s32 $_size__tile_overlayer_lowered;
	s6 =	simm.s32 $_tile_overlayer_lowered  }
0x9b: {  	s22 =	simm.s32 $0x1BFF;
	s21 =	sshll.u32 s6, $0x1;
	s3 =	sadd.s32 s4, s19  }
0x9c: {  	s7 =	simm.s32 $0x0;
	s20 =	sshll.u32 s5, $0x1;
	s5 =	sadd.s32 s21, s3  }
0x9d: {  	[timem:s7], [sflag:s22] =	dma.local [hbm:s5], s20  }
0x9e: {  	_ =	swait.ge [sflag:s22], s20  }
0x9f: {  	s4 =	ssub.s32 $0x0, s20;
	[sflag:s22] =	ssyncset.done $0x0  }
0xa0: {  	[sflag:s22] =	ssyncadd.s32 s4;
	_ =	sdelay $0x1  }
0xa1: {  	s23 =	simm.s32 $0x1B8B  }
0xa2: {  	_ =	swait.ge [sflag:s23], $0x1  }
0xa3: {  	[sflag:s23] =	ssyncset.done $0x0  }
0xa4: {  	s25 =	simm.s32 $0x1B8E;
	s24 =	sld [smem:$0x3FFE];
	[sflag:s23] =	ssyncadd.s32 $0xFFFFFFFF  }
0xa5: {  	s26 =	simm.s32 $execute0_lowered;
	[smem:$0x3FD2] =	sst s25  }
0xa6: {  	s5 =	sshll.u32 s26, $0x1;
	_ =	strace $0x80000049;
	[dreg:$0x1] =	wrdreg $0xFFFFFFFF  }
0xa7: {  	s28 =	simm.s32 $_size_execute0_lowered;
	s3 =	sadd.s32 s3, s5;
	[dreg:$0x0] =	wrdreg $0x0  }
0xa8: {  	s5 =	sshll.u32 s28, $0x1;
	[dreg:$0x2] =	wrdreg s3  }
0xa9: {  	[dreg:$0x3] =	wrdreg s5  }
0xaa: {  	[dreg:$0x4] =	wrdreg $0xC0  }
0xab: {  	_ =	task [dreg:s7], $0x5FFFF  }
0xac: {  	[dreg:$0x1] =	wrdreg $0xFFFFFFFF  }
0xad: {  	[dreg:$0x0] =	wrdreg $0x60  }
0xae: {  	[dreg:$0x2] =	wrdreg s2  }
0xaf: {  	[dreg:$0x3] =	wrdreg s24  }
0xb0: {  	[dreg:$0x4] =	wrdreg $0x15E000  }
0xb1: {  	[dreg:$0x5] =	wrdreg $0x9  }
0xb2: {  	_ =	task.clear_ibuf [dreg:s7], $0x6FFFF;
	_ =	strace $0x90000049  }
0xb3: {  	s29 =	simm.s32 $0x9;
	_ =	strace $0x8000004B  }
0xb4: {  	_ =	swait.ge [sflag:s29], $0x1  }
0xb5: {  	[sflag:s29] =	ssyncadd.s32 $0xFFFFFFFF  }
0xb6: {  	_ =	strace $0x9000004B  }
0xb7: {  	_ =	sfence  }
0xb8: {  	s30 =	sld [smem:$0x0];
	_ =	sdelay $0x2  }
0xb9: {  	s31 =	sshll.u32 s1, $0xD;
	s1 =	sshrl.u32 s1, $0x2  }
0xba: {  	s3 =	sand.u32 $0x4000, s31;
	s1 =	sadd.s32 s1, s30  }
0xbb: {  	s0 =	sor.u32 s3, s0;
	s1 =	sshll.u32 s1, $0x11  }
0xbc: {  	s0 =	sor.u32 s1, s0  }
0xbd: {  	s0 =	sadd.s32 $0x8F2B, s0  }
0xbe: {  	[sflag:s0] =	ssyncadd.remote.s32 $0x1  }
0xbf: {  	_ =	sfence.sel $0xFFFF  }
0xc0: {  	[dreg:$0x0] =	wrdreg $0xFFFFFFFF;
	(pc) =	sbr.abs _section_cstart, $3  }
0xc1: {  	[dreg:$0x1] =	wrdreg $0xFFFFFFFF  }
0xc2: {  	_ =	task.clear_ibuf [dreg:s7], $0x2FFFF;
	_ =	strace $0x9FFFFFFF  }
0xc3: {  	(tm) =	ssettm $0x7FFFFFFF  }
tec
execute0_lowered:
.L_overlay_start_1:
0x0: {  	(tag) =	ssettag $0x1  }
0x1: {  	s1 =	rddreg [dreg:$0x0]  }
0x2: {  	s2 =	srdreg.scid;
	s5 =	rddreg [dreg:$0x1]  }
0x3: {  	s0 =	stileid.u32;
	s3 =	rddreg [dreg:$0x2];
	s4 =	simm.s32 $0x0  }
0x4: {  	s12 =	simm.s32 $0xC000;
	s13 =	simm.s32 $0x80;
	s7 =	smul.u32 $0x5000, s0  }
0x5: {  	s14 =	simm.s32 $0xA000;
	s6 =	sand.u32 $0x1, s2;
	s9 =	smul.u32 $0x278, s0  }
0x6: {  	s15 =	simm.s32 $0x1;
	s2 =	rddreg [dreg:$0x3];
	s8 =	smul.u32 $0x50000, s6  }
0x7: {  	s16 =	simm.s32 $0x0;
	[smem:$0x7FF] =	sst s4;
	s10 =	smul.u32 $0x9C600, s6  }
0x8: {  	_ =	strace $0x8000004A;
	s6 =	ssub.s32 $0x2, s6;
	s9 =	smin.u32 s9, $0x24A0  }
0x9: {  	s11 =	sshrl.u32 s6, $0x1;
	s8 =	sadd.s32 s7, s8;
	s9 =	sshll.u32 s9, $0x6  }
0xa: {  	s7 =	sshrl.u32 s7, $0x3;
	s11 =	ssub.s32 s6, s11;
	s8 =	sshrl.u32 s8, $0x3  }
0xb: {  	s10 =	sadd.s32 s10, s9;
	s7 =	sadd.s32 s7, s5;
	s8 =	sadd.s32 s8, s5  }
0xc: {  	s10 =	sshrl.u32 s10, $0x3;
	s6 =	sadd.s32 $0x1E00, s7;
	s7 =	sadd.s32 s9, s3  }
0xd: {  	s9 =	smax.u32 s11, $0x1;
	s11 =	simm.s32 $0x5000;
	s10 =	sadd.s32 s10, s5  }
0xe: {  	v0 =	vimm.f32 $0.0e+00;
	s5 =	sadd.s32 $0xBE00, s8;
	s8 =	sadd.s32 $0x6E000, s10;
	s10 =	simm.s32 $0x2  }
.LBB2_1:
0xf: {  	[tilespmem:s4], [sflag:$0x2] =	stream.linear.gather [hbm4b:s5+s4], $0x5000, $0x38;
	[tilespmem:$0x1FA60] =	vst v63  }
0x10: {  	_ =	swait.ge [sflag:s10], $0x5000  }
0x11: {  	[sflag:s10] =	ssyncset.done $0x0  }
0x12: {  	[sflag:s10] =	ssyncadd.s32 $0xFFFFB000  }
0x13: {  	[tilespmem:s11], [sflag:$0x2] =	stream.linear.gather [hbm4b:s6+s4], $0x5000, $0x38;
	[tilespmem:$0x1FA60] =	vst v63  }
0x14: {  	_ =	swait.ge [sflag:s10], $0x5000  }
0x15: {  	[sflag:s10] =	ssyncset.done $0x0  }
0x16: {  	s18 =	simm.s32 $0x100;
	s17 =	simm.s32 $0x0;
	[sflag:s10] =	ssyncadd.s32 $0xFFFFB000  }
.LBB2_2:
0x17: {  	p0 =	sne.s32 s18, $0x27700;
	[tilespmem:s17+$0xC030] =	vst v0;
	s19 =	smov.u32 s18;
	s18 =	sadd.s32 $0x100, s18  }
.Ltmp0:
0x18: {  	[tilespmem:s17+$0xC020] =	vst v0;
	(pc) =	sbr.rel @p0 .LBB2_2-.Ltmp0, $3  }
0x19: {  	[tilespmem:s17+$0xC000] =	vst v0  }
0x1a: {  	[tilespmem:s17+$0xC010] =	vst v0;
	_ =	sdelay $0x1  }
0x1b: {  	s17 =	sshra.s32 s19, $0x2  }
0x1c: {  	[tilespmem:s17+$0xC030] =	vst v0  }
0x1d: {  	[tilespmem:s17+$0xC020] =	vst v0  }
0x1e: {  	[tilespmem:s17+$0xC000] =	vst v0  }
0x1f: {  	[tilespmem:s17+$0xC010] =	vst v0  }
0x20: {  	[spmem:s7] =	stream.linear.scatter [tilespmem:s12], [sflag:$0x2], $0x9E00, $0x38;
	[tilespmem:$0x1FA60] =	vst v63  }
0x21: {  	_ =	swait.ge [sflag:s10], $0x9E00  }
0x22: {  	[sflag:s10] =	ssyncset.done $0x0  }
0x23: {  	[sflag:s10] =	ssyncadd.s32 $0xFFFF6200  }
0x24: {  	s30 =	simm.s32 $0x0;
	[bflag:$0x0] =	sbarrier.arrive $0xFFFF  }
0x25: {  	[tilespmem:s14], [sflag:$0x1] =	stream.indirect.gather [hbm4b:s1+s13], $0x40, s30, s13, $0xb8;
	[tilespmem:$0x1FA60] =	vst v63  }
0x26: {  	_ =	swait.ge [sflag:s15], $0x2000  }
0x27: {  	[sflag:s15] =	ssyncset.done $0x0  }
0x28: {  	s31 =	simm.s32 $0x5000;
	[sflag:s15] =	ssyncadd.s32 $0xFFFFE000  }
0x29: {  	[spmem:s3] =	stream.indirect.scatter.add.f32 [tilespmem:s14], [sflag:$0x2], $0x40, s31, s13, $0xb8;
	[tilespmem:$0x1FA60] =	vst v63  }
0x2a: {  	_ =	swait.ge [sflag:s10], $0x2000  }
0x2b: {  	s17 =	simm.s32 $0x200;
	s18 =	simm.s32 $0x400;
	[sflag:s10] =	ssyncset.done $0x0  }
.LBB2_4:
0x2c: {  	s19 =	sshra.s32 s17, $0x2  }
0x2d: {  	[sflag:s10] =	ssyncadd.s32 $0xFFFFE000;
	s17 =	smov.u32 s18;
	s20 =	sadd.s32 $0x200, s18  }
0x2e: {  	[tilespmem:s14], [sflag:$0x1] =	stream.indirect.gather [hbm4b:s1+s13], $0x40, s19, s13, $0xb8;
	[tilespmem:$0x1FA60] =	vst v63  }
0x2f: {  	p0 =	sne.s32 s18, $0x13E00;
	_ =	swait.ge [sflag:s15], $0x2000  }
.Ltmp1:
0x30: {  	[sflag:s15] =	ssyncset.done $0x0;
	(pc) =	sbr.rel @p0 .LBB2_4-.Ltmp1, $4  }
0x31: {  	s18 =	sadd.s32 $0x5000, s19;
	[sflag:s15] =	ssyncadd.s32 $0xFFFFE000  }
0x32: {  	[spmem:s3] =	stream.indirect.scatter.add.f32 [tilespmem:s14], [sflag:$0x2], $0x40, s18, s13, $0xb8;
	[tilespmem:$0x1FA60] =	vst v63  }
0x33: {  	_ =	swait.ge [sflag:s10], $0x2000  }
0x34: {  	s18 =	smov.u32 s20;
	[sflag:s10] =	ssyncset.done $0x0  }
0x35: {  	s17 =	sshra.s32 s17, $0x2;
	[sflag:s10] =	ssyncadd.s32 $0xFFFFE000  }
0x36: {  	[tilespmem:s14], [sflag:$0x1] =	stream.indirect.gather [hbm4b:s1+s13], $0x40, s17, s13, $0xb8;
	[tilespmem:$0x1FA60] =	vst v63  }
0x37: {  	_ =	swait.ge [sflag:s15], $0x2000  }
0x38: {  	[sflag:s15] =	ssyncset.done $0x0  }
0x39: {  	s17 =	sadd.s32 $0x5000, s17;
	[sflag:s15] =	ssyncadd.s32 $0xFFFFE000  }
0x3a: {  	[spmem:s3] =	stream.indirect.scatter.add.f32 [tilespmem:s14], [sflag:$0x2], $0x40, s17, s13, $0xb8;
	[tilespmem:$0x1FA60] =	vst v63  }
0x3b: {  	_ =	swait.ge [sflag:s10], $0x2000  }
0x3c: {  	[sflag:s10] =	ssyncset.done $0x0  }
0x3d: {  	[sflag:s10] =	ssyncadd.s32 $0xFFFFE000  }
0x3e: {  	[bflag:$0x0] =	sbarrier.arrive $0xFFFF  }
0x3f: {  	[tilespmem:s12], [sflag:$0x2] =	stream.linear.gather [spmem:s7], $0x9E00, $0x38;
	[tilespmem:$0x1FA60] =	vst v63  }
0x40: {  	s16 =	sadd.s32 $0x1, s16;
	_ =	swait.ge [sflag:s10], $0x9E00  }
0x41: {  	p0 =	sne.s32 s16, s9;
	[sflag:s10] =	ssyncset.done $0x0  }
.Ltmp2:
0x42: {  	[sflag:s10] =	ssyncadd.s32 $0xFFFF6200;
	(pc) =	sbr.rel @p0 .LBB2_1-.Ltmp2, $4  }
0x43: {  	[hbm4b:s8+s4] =	stream.linear.scatter [tilespmem:s12], [sflag:$0x2], $0x9E00, $0x38;
	[tilespmem:$0x1FA60] =	vst v63  }
0x44: {  	_ =	swait.ge [sflag:s10], $0x9E00  }
0x45: {  	[sflag:s10] =	ssyncset.done $0x0  }
0x46: {  	[sflag:s10] =	ssyncadd.s32 $0xFFFF6200  }
0x47: {  	_ =	sfence.sel $0x180000  }
0x48: {  	[bflag:$0x0] =	sbarrier.arrive $0xFFFF  }
0x49: {  	p0 =	sne.s32 s0, $0x0;
	_ =	strace $0x9000004A  }
0x4a: {  	s0 =	sadd.s32 @!p0 $0x100000, s2;
	[bflag:$0x2] =	sbarrier.arrive $0xFFFF  }
0x4b: {  	[sflag:s0] =	ssyncadd.tile.s32 @!p0 $0x1;
	_ =	shalt  }
.Lfunc_end2:
_tile_overlayer_lowered:
.L_overlay_start_2:
0x4c: {  	(tag) =	ssettag $0x2  }
0x4d: {  	s0 =	rddreg [dreg:$0x0];
	s2 =	stileid.u32  }
0x4e: {  	s1 =	rddreg [dreg:$0x1];
	p0 =	sne.s32 s2, $0x0  }
0x4f: {  	s3 =	rddreg [dreg:$0x2];
	[bflag:$0x3] =	sbarrier.arrive $0xFFFF;
	s2 =	simm.s32 @!p0 $0x1C02  }
0x50: {  	[timem:s3], [sflag:s2] =	dma.local @!p0 [hbm:s0], s1  }
0x51: {  	s0 =	simm.s32 @!p0 $0x2  }
0x52: {  	_ =	swait.ge @!p0 [sflag:s0], s1  }
0x53: {  	s1 =	ssub.s32 @!p0 $0x0, s1;
	[sflag:s0] =	ssyncset.done @!p0 $0x0  }
0x54: {  	[sflag:s0] =	ssyncadd.s32 @!p0 s1  }
0x55: {  	[bflag:$0x3] =	sbarrier.arrive $0xFFFF  }
0x56: {  	_ =	shalt  }

// kernel: kernel.17.cloned.1.call-start
scs
__scs_entry_jumppad:
0x0: {  	(pc) =	sbr.rel $0x88, $3  }
0x1: {  	(tag) =	ssettag $0x0;
	lr =	simm.s32 $0x1  }
0x2: {  	[smem:$0x3F99] =	sst lr;
	_ =	strace $0xD0000000  }
0x3: {  	_ = 	snop  }
0x4: {  	_ = 	snop  }
0x5: {  	_ = 	snop  }
0x6: {  	_ = 	snop  }
0x7: {  	_ = 	snop  }
__scs_overlays_trampoline_lowered:
0x8: {  	[smem:$0x3FA8] =	sst s0  }
0x9: {  	[smem:$0x3FA9] =	sst s1  }
0xa: {  	[smem:$0x3FAA] =	sst s2  }
0xb: {  	[smem:$0x3FAB] =	sst s3  }
0xc: {  	[smem:$0x3FAC] =	sst s4  }
0xd: {  	[smem:$0x3FAD] =	sst s5  }
0xe: {  	[smem:$0x3FAE] =	sst s6  }
0xf: {  	[smem:$0x3FAF] =	sst s7  }
0x10: {  	[smem:$0x3FB0] =	sst s8  }
0x11: {  	[smem:$0x3FB1] =	sst s9;
	s0 =	simm.s32 @!p0 $0x0  }
0x12: {  	s1 =	sld [smem:$0x3F97];
	s0 =	simm.s32 @p0 $0x1  }
0x13: {  	[smem:$0x3FB2] =	sst s0;
	s0 =	simm.s32 @!p1 $0x0  }
0x14: {  	s2 =	sld [smem:$0x3F96];
	s0 =	simm.s32 @p1 $0x1  }
0x15: {  	[smem:$0x3FB3] =	sst s0;
	s0 =	simm.s32 @!p2 $0x0  }
0x16: {  	s3 =	sld [smem:$0x3FDB];
	s0 =	simm.s32 @p2 $0x1  }
0x17: {  	s4 =	simm.s32 $0x1BF5;
	[smem:$0x3FB5] =	sst s0  }
0x18: {  	s0 =	sld [smem:$0x3F98];
	_ =	swait.ge [sflag:s4], $0x0  }
0x19: {  	s7 =	sld [smem:$0x3F99]  }
0x1a: {  	s8 =	sadd.s32 $0xFFFFE003, lr  }
0x1b: {  	s9 =	sadd.s32 $0xFFFFFEF7, lr;
	s5 =	simm.s32 $0xFFFFFFFF;
	p2 =	slt.u32 s8, $0xFFFFF086  }
0x1c: {  	p1 =	slt.u32 s9, $0xF7A;
	s5 =	simm.s32 @!p2 $0x0  }
0x1d: {  	s5 =	simm.s32 @p1 $0x1;
	p0 =	seq.s32 s7, s2  }
0x1e: {  	s7 =	smul.u32 @!p0 $0xF7A, s2;
	p2 =	seq.s32 @!p0 s5, $0x0  }
0x1f: {  	s9 =	smul.u32 $0xF7A, s1;
	s8 =	simm.s32 @!p0 $0x1BF5;
	p2 =	por !p2, p0  }
0x20: {  	[sflag:s8] =	ssyncset.s32 @!p0 $0xFFFFF086;
	s6 =	sadd.s32 @!p0 s3, s7;
	s7 =	simm.s32 @!p0 $0x108  }
0x21: {  	s3 =	sadd.s32 s3, s9;
	s6 =	sadd.s32 @!p0 $0x88, s6;
	s7 =	simm.s32 @p2 $0x1082  }
0x22: {  	[simem:s7], [sflag:s8] =	dma.local @!p0 [hbm:s6], $0xF7A  }
0x23: {  	s9 =	sor.u32 $0xD0000000, s2;
	s6 =	simm.s32 $0x108;
	_ =	swait.ge @!p0 [sflag:s8], $0x0  }
0x24: {  	s3 =	sadd.s32 $0x88, s3;
	s6 =	simm.s32 @!p1 $0x1082;
	[sflag:s4] =	ssyncset.s32 $0xFFFFF086  }
0x25: {  	[simem:s6], [sflag:s4] =	dma.local [hbm:s3], $0xF7A  }
0x26: {  	[smem:$0x3F99] =	sst s1;
	(tag) =	ssettag s2;
	_ =	strace s9  }
0x27: {  	s1 =	sld [smem:$0x3FA9]  }
0x28: {  	s2 =	sld [smem:$0x3FAA]  }
0x29: {  	s4 =	sld [smem:$0x3FAC]  }
0x2a: {  	p0 =	seq.s32 s5, $0x0;
	s5 =	sld [smem:$0x3FAD]  }
0x2b: {  	s6 =	sld [smem:$0x3FAE]  }
0x2c: {  	s7 =	sld [smem:$0x3FAF]  }
0x2d: {  	s3 =	simm.s32 $0x108;
	s8 =	sld [smem:$0x3FB0]  }
0x2e: {  	s3 =	simm.s32 @!p0 $0x1082;
	s9 =	sld [smem:$0x3FB1]  }
0x2f: {  	lr =	sadd.s32 s0, s3;
	s0 =	sld [smem:$0x3FA8]  }
0x30: {  	s3 =	sld [smem:$0x3FAB]  }
0x31: {  	[smem:$0x3FB4] =	sst s10  }
0x32: {  	s10 =	sld [smem:$0x3FB2];
	_ =	sdelay $0x3  }
0x33: {  	p0 =	seq.s32 s10, $0x1;
	s10 =	sld [smem:$0x3FB4];
	_ =	sdelay $0x3  }
0x34: {  	[smem:$0x3FB4] =	sst s10  }
0x35: {  	s10 =	sld [smem:$0x3FB3];
	_ =	sdelay $0x3  }
0x36: {  	p1 =	seq.s32 s10, $0x1;
	s10 =	sld [smem:$0x3FB4];
	_ =	sdelay $0x3  }
0x37: {  	[smem:$0x3FB4] =	sst s10  }
0x38: {  	s10 =	sld [smem:$0x3FB5]  }
0x39: {  	_ = 	snop;
	(pc) =	sbr.ind lr, $3  }
0x3a: {  	_ = 	snop  }
0x3b: {  	_ = 	snop  }
0x3c: {  	p2 =	seq.s32 s10, $0x1;
	s10 =	sld [smem:$0x3FB4]  }
0x3d: {  	_ =	shalt  }
0x3e: {  	_ =	shalt  }
0x3f: {  	_ =	shalt  }
0x40: {  	_ =	shalt  }
0x41: {  	_ =	shalt  }
0x42: {  	_ =	shalt  }
0x43: {  	_ =	shalt  }
0x44: {  	_ =	shalt  }
0x45: {  	_ =	shalt  }
0x46: {  	_ =	shalt  }
0x47: {  	_ =	shalt  }
0x48: {  	_ =	shalt  }
0x49: {  	_ =	shalt  }
0x4a: {  	_ =	shalt  }
0x4b: {  	_ =	shalt  }
0x4c: {  	_ =	shalt  }
0x4d: {  	_ =	shalt  }
0x4e: {  	_ =	shalt  }
0x4f: {  	_ =	shalt  }
0x50: {  	_ =	shalt  }
0x51: {  	_ =	shalt  }
0x52: {  	_ =	shalt  }
0x53: {  	_ =	shalt  }
0x54: {  	_ =	shalt  }
0x55: {  	_ =	shalt  }
0x56: {  	_ =	shalt  }
0x57: {  	_ =	shalt  }
0x58: {  	_ =	shalt  }
0x59: {  	_ =	shalt  }
0x5a: {  	_ =	shalt  }
0x5b: {  	_ =	shalt  }
0x5c: {  	_ =	shalt  }
0x5d: {  	_ =	shalt  }
0x5e: {  	_ =	shalt  }
0x5f: {  	_ =	shalt  }
0x60: {  	_ =	shalt  }
0x61: {  	_ =	shalt  }
0x62: {  	_ =	shalt  }
0x63: {  	_ =	shalt  }
0x64: {  	_ =	shalt  }
0x65: {  	_ =	shalt  }
0x66: {  	_ =	shalt  }
0x67: {  	_ =	shalt  }
0x68: {  	_ =	shalt  }
0x69: {  	_ =	shalt  }
0x6a: {  	_ =	shalt  }
0x6b: {  	_ =	shalt  }
0x6c: {  	_ =	shalt  }
0x6d: {  	_ =	shalt  }
0x6e: {  	_ =	shalt  }
0x6f: {  	_ =	shalt  }
0x70: {  	_ =	shalt  }
0x71: {  	_ =	shalt  }
0x72: {  	_ =	shalt  }
0x73: {  	_ =	shalt  }
0x74: {  	_ =	shalt  }
0x75: {  	_ =	shalt  }
0x76: {  	_ =	shalt  }
0x77: {  	_ =	shalt  }
0x78: {  	_ =	shalt  }
0x79: {  	_ =	shalt  }
0x7a: {  	_ =	shalt  }
0x7b: {  	_ =	shalt  }
0x7c: {  	_ =	shalt  }
0x7d: {  	_ =	shalt  }
0x7e: {  	_ =	shalt  }
0x7f: {  	_ =	shalt  }
0x80: {  	_ =	shalt  }
0x81: {  	_ =	shalt  }
0x82: {  	_ =	shalt  }
0x83: {  	_ =	shalt  }
0x84: {  	_ =	shalt  }
0x85: {  	_ =	shalt  }
0x86: {  	_ =	shalt  }
0x87: {  	_ =	shalt  }
.Lfunc_end0:
.L_simem_size_0:
called_computation.2_lowered:
.L_overlay_start_0:
0x88: {  	s2 =	sld [smem:$0x3FD9]  }
0x89: {  	s3 =	sld [smem:$0x3FFE];
	_ =	sdelay $0x1  }
0x8a: {  	s1 =	srdreg.scid  }
0x8b: {  	s0 =	sand.u32 $0x1, s1  }
0x8c: {  	s17 =	sshll.u32 s0, $0xA;
	s2 =	sadd.s32 s3, s2  }
0x8d: {  	s2 =	sadd.s32 s2, s17  }
0x8e: {  	[smem:$0x3FC0] =	sst s2  }
0x8f: {  	_ = 	snop  }
0x90: {  	s2 =	sld [smem:$0x3FD0];
	(tm) =	ssettm $0x1  }
0x91: {  	s18 =	sld [smem:$0x3FFB];
	_ =	sdelay $0x3  }
0x92: {  	_ =	strace s18  }
0x93: {  	s3 =	sld [smem:$0x3FFC];
	_ =	sdelay $0x3  }
0x94: {  	_ =	strace s3  }
0x95: {  	s3 =	sld [smem:$0x3FFD];
	_ =	sdelay $0x3  }
0x96: {  	_ =	strace s3  }
0x97: {  	_ =	strace $0x8FFFFFFF  }
0x98: {  	s19 =	sld [smem:$0x3FDB];
	_ =	sdelay $0x1  }
0x99: {  	s4 =	simm.s32 $_scs_section_size  }
0x9a: {  	s5 =	simm.s32 $_size__tile_overlayer_lowered;
	s6 =	simm.s32 $_tile_overlayer_lowered  }
0x9b: {  	s22 =	simm.s32 $0x1BFF;
	s21 =	sshll.u32 s6, $0x1;
	s3 =	sadd.s32 s4, s19  }
0x9c: {  	s7 =	simm.s32 $0x0;
	s20 =	sshll.u32 s5, $0x1;
	s5 =	sadd.s32 s21, s3  }
0x9d: {  	[timem:s7], [sflag:s22] =	dma.local [hbm:s5], s20  }
0x9e: {  	_ =	swait.ge [sflag:s22], s20  }
0x9f: {  	s4 =	ssub.s32 $0x0, s20;
	[sflag:s22] =	ssyncset.done $0x0  }
0xa0: {  	[sflag:s22] =	ssyncadd.s32 s4;
	_ =	sdelay $0x1  }
0xa1: {  	s23 =	simm.s32 $0x1B8B  }
0xa2: {  	_ =	swait.ge [sflag:s23], $0x1  }
0xa3: {  	[sflag:s23] =	ssyncset.done $0x0  }
0xa4: {  	s25 =	simm.s32 $0x1B8E;
	s24 =	sld [smem:$0x3FFE];
	[sflag:s23] =	ssyncadd.s32 $0xFFFFFFFF  }
0xa5: {  	s26 =	simm.s32 $execute0_lowered;
	[smem:$0x3FD2] =	sst s25  }
0xa6: {  	s5 =	sshll.u32 s26, $0x1;
	_ =	strace $0x8000004C;
	[dreg:$0x1] =	wrdreg $0xFFFFFFFF  }
0xa7: {  	s28 =	simm.s32 $_size_execute0_lowered;
	s3 =	sadd.s32 s3, s5;
	[dreg:$0x0] =	wrdreg $0x0  }
0xa8: {  	s5 =	sshll.u32 s28, $0x1;
	[dreg:$0x2] =	wrdreg s3  }
0xa9: {  	[dreg:$0x3] =	wrdreg s5  }
0xaa: {  	[dreg:$0x4] =	wrdreg $0xC0  }
0xab: {  	_ =	task [dreg:s7], $0x5FFFF  }
0xac: {  	[dreg:$0x1] =	wrdreg $0xFFFFFFFF  }
0xad: {  	[dreg:$0x0] =	wrdreg $0x60  }
0xae: {  	[dreg:$0x2] =	wrdreg s2  }
0xaf: {  	[dreg:$0x3] =	wrdreg s24  }
0xb0: {  	[dreg:$0x4] =	wrdreg $0x15E000  }
0xb1: {  	[dreg:$0x5] =	wrdreg $0x9  }
0xb2: {  	_ =	task.clear_ibuf [dreg:s7], $0x6FFFF;
	_ =	strace $0x9000004C  }
0xb3: {  	s29 =	simm.s32 $0x9;
	_ =	strace $0x8000004E  }
0xb4: {  	_ =	swait.ge [sflag:s29], $0x1  }
0xb5: {  	[sflag:s29] =	ssyncadd.s32 $0xFFFFFFFF  }
0xb6: {  	_ =	strace $0x9000004E  }
0xb7: {  	_ =	sfence  }
0xb8: {  	s30 =	sld [smem:$0x0];
	_ =	sdelay $0x2  }
0xb9: {  	s31 =	sshll.u32 s1, $0xD;
	s1 =	sshrl.u32 s1, $0x2  }
0xba: {  	s3 =	sand.u32 $0x4000, s31;
	s1 =	sadd.s32 s1, s30  }
0xbb: {  	s0 =	sor.u32 s3, s0;
	s1 =	sshll.u32 s1, $0x11  }
0xbc: {  	s0 =	sor.u32 s1, s0  }
0xbd: {  	s0 =	sadd.s32 $0x8F2B, s0  }
0xbe: {  	[sflag:s0] =	ssyncadd.remote.s32 $0x1  }
0xbf: {  	_ =	sfence.sel $0xFFFF  }
0xc0: {  	[dreg:$0x0] =	wrdreg $0xFFFFFFFF;
	(pc) =	sbr.abs _section_cstart, $3  }
0xc1: {  	[dreg:$0x1] =	wrdreg $0xFFFFFFFF  }
0xc2: {  	_ =	task.clear_ibuf [dreg:s7], $0x2FFFF;
	_ =	strace $0x9FFFFFFF  }
0xc3: {  	(tm) =	ssettm $0x7FFFFFFF  }
tec
execute0_lowered:
.L_overlay_start_1:
0x0: {  	(tag) =	ssettag $0x1  }
0x1: {  	s1 =	rddreg [dreg:$0x0]  }
0x2: {  	s2 =	srdreg.scid;
	s5 =	rddreg [dreg:$0x1]  }
0x3: {  	s0 =	stileid.u32;
	s3 =	rddreg [dreg:$0x2];
	s4 =	simm.s32 $0x0  }
0x4: {  	s12 =	simm.s32 $0xC000;
	s13 =	simm.s32 $0x80;
	s7 =	smul.u32 $0x5000, s0  }
0x5: {  	s14 =	simm.s32 $0xA000;
	s6 =	sand.u32 $0x1, s2;
	s9 =	smul.u32 $0x278, s0  }
0x6: {  	s15 =	simm.s32 $0x1;
	s2 =	rddreg [dreg:$0x3];
	s8 =	smul.u32 $0x50000, s6  }
0x7: {  	s16 =	simm.s32 $0x0;
	[smem:$0x7FF] =	sst s4;
	s10 =	smul.u32 $0x9C600, s6  }
0x8: {  	_ =	strace $0x8000004D;
	s6 =	ssub.s32 $0x2, s6;
	s9 =	smin.u32 s9, $0x24A0  }
0x9: {  	s11 =	sshrl.u32 s6, $0x1;
	s8 =	sadd.s32 s7, s8;
	s9 =	sshll.u32 s9, $0x6  }
0xa: {  	s7 =	sshrl.u32 s7, $0x3;
	s11 =	ssub.s32 s6, s11;
	s8 =	sshrl.u32 s8, $0x3  }
0xb: {  	s10 =	sadd.s32 s10, s9;
	s7 =	sadd.s32 s7, s5;
	s8 =	sadd.s32 s8, s5  }
0xc: {  	s10 =	sshrl.u32 s10, $0x3;
	s6 =	sadd.s32 $0x1E00, s7;
	s7 =	sadd.s32 s9, s3  }
0xd: {  	s9 =	smax.u32 s11, $0x1;
	s11 =	simm.s32 $0x5000;
	s10 =	sadd.s32 s10, s5  }
0xe: {  	v0 =	vimm.f32 $0.0e+00;
	s5 =	sadd.s32 $0xBE00, s8;
	s8 =	sadd.s32 $0x6E000, s10;
	s10 =	simm.s32 $0x2  }
.LBB2_1:
0xf: {  	[tilespmem:s4], [sflag:$0x2] =	stream.linear.gather [hbm4b:s5+s4], $0x5000, $0x38;
	[tilespmem:$0x1FA60] =	vst v63  }
0x10: {  	_ =	swait.ge [sflag:s10], $0x5000  }
0x11: {  	[sflag:s10] =	ssyncset.done $0x0  }
0x12: {  	[sflag:s10] =	ssyncadd.s32 $0xFFFFB000  }
0x13: {  	[tilespmem:s11], [sflag:$0x2] =	stream.linear.gather [hbm4b:s6+s4], $0x5000, $0x38;
	[tilespmem:$0x1FA60] =	vst v63  }
0x14: {  	_ =	swait.ge [sflag:s10], $0x5000  }
0x15: {  	[sflag:s10] =	ssyncset.done $0x0  }
0x16: {  	s18 =	simm.s32 $0x100;
	s17 =	simm.s32 $0x0;
	[sflag:s10] =	ssyncadd.s32 $0xFFFFB000  }
.LBB2_2:
0x17: {  	p0 =	sne.s32 s18, $0x27700;
	[tilespmem:s17+$0xC030] =	vst v0;
	s19 =	smov.u32 s18;
	s18 =	sadd.s32 $0x100, s18  }
.Ltmp0:
0x18: {  	[tilespmem:s17+$0xC020] =	vst v0;
	(pc) =	sbr.rel @p0 .LBB2_2-.Ltmp0, $3  }
0x19: {  	[tilespmem:s17+$0xC000] =	vst v0  }
0x1a: {  	[tilespmem:s17+$0xC010] =	vst v0;
	_ =	sdelay $0x1  }
0x1b: {  	s17 =	sshra.s32 s19, $0x2  }
0x1c: {  	[tilespmem:s17+$0xC030] =	vst v0  }
0x1d: {  	[tilespmem:s17+$0xC020] =	vst v0  }
0x1e: {  	[tilespmem:s17+$0xC000] =	vst v0  }
0x1f: {  	[tilespmem:s17+$0xC010] =	vst v0  }
0x20: {  	[spmem:s7] =	stream.linear.scatter [tilespmem:s12], [sflag:$0x2], $0x9E00, $0x38;
	[tilespmem:$0x1FA60] =	vst v63  }
0x21: {  	_ =	swait.ge [sflag:s10], $0x9E00  }
0x22: {  	[sflag:s10] =	ssyncset.done $0x0  }
0x23: {  	[sflag:s10] =	ssyncadd.s32 $0xFFFF6200  }
0x24: {  	s30 =	simm.s32 $0x0;
	[bflag:$0x0] =	sbarrier.arrive $0xFFFF  }
0x25: {  	[tilespmem:s14], [sflag:$0x1] =	stream.indirect.gather [hbm4b:s1+s13], $0x40, s30, s13, $0xb8;
	[tilespmem:$0x1FA60] =	vst v63  }
0x26: {  	_ =	swait.ge [sflag:s15], $0x2000  }
0x27: {  	[sflag:s15] =	ssyncset.done $0x0  }
0x28: {  	s31 =	simm.s32 $0x5000;
	[sflag:s15] =	ssyncadd.s32 $0xFFFFE000  }
0x29: {  	[spmem:s3] =	stream.indirect.scatter.add.f32 [tilespmem:s14], [sflag:$0x2], $0x40, s31, s13, $0xb8;
	[tilespmem:$0x1FA60] =	vst v63  }
0x2a: {  	_ =	swait.ge [sflag:s10], $0x2000  }
0x2b: {  	s17 =	simm.s32 $0x200;
	s18 =	simm.s32 $0x400;
	[sflag:s10] =	ssyncset.done $0x0  }
.LBB2_4:
0x2c: {  	s19 =	sshra.s32 s17, $0x2  }
0x2d: {  	[sflag:s10] =	ssyncadd.s32 $0xFFFFE000;
	s17 =	smov.u32 s18;
	s20 =	sadd.s32 $0x200, s18  }
0x2e: {  	[tilespmem:s14], [sflag:$0x1] =	stream.indirect.gather [hbm4b:s1+s13], $0x40, s19, s13, $0xb8;
	[tilespmem:$0x1FA60] =	vst v63  }
0x2f: {  	p0 =	sne.s32 s18, $0x13E00;
	_ =	swait.ge [sflag:s15], $0x2000  }
.Ltmp1:
0x30: {  	[sflag:s15] =	ssyncset.done $0x0;
	(pc) =	sbr.rel @p0 .LBB2_4-.Ltmp1, $4  }
0x31: {  	s18 =	sadd.s32 $0x5000, s19;
	[sflag:s15] =	ssyncadd.s32 $0xFFFFE000  }
0x32: {  	[spmem:s3] =	stream.indirect.scatter.add.f32 [tilespmem:s14], [sflag:$0x2], $0x40, s18, s13, $0xb8;
	[tilespmem:$0x1FA60] =	vst v63  }
0x33: {  	_ =	swait.ge [sflag:s10], $0x2000  }
0x34: {  	s18 =	smov.u32 s20;
	[sflag:s10] =	ssyncset.done $0x0  }
0x35: {  	s17 =	sshra.s32 s17, $0x2;
	[sflag:s10] =	ssyncadd.s32 $0xFFFFE000  }
0x36: {  	[tilespmem:s14], [sflag:$0x1] =	stream.indirect.gather [hbm4b:s1+s13], $0x40, s17, s13, $0xb8;
	[tilespmem:$0x1FA60] =	vst v63  }
0x37: {  	_ =	swait.ge [sflag:s15], $0x2000  }
0x38: {  	[sflag:s15] =	ssyncset.done $0x0  }
0x39: {  	s17 =	sadd.s32 $0x5000, s17;
	[sflag:s15] =	ssyncadd.s32 $0xFFFFE000  }
0x3a: {  	[spmem:s3] =	stream.indirect.scatter.add.f32 [tilespmem:s14], [sflag:$0x2], $0x40, s17, s13, $0xb8;
	[tilespmem:$0x1FA60] =	vst v63  }
0x3b: {  	_ =	swait.ge [sflag:s10], $0x2000  }
0x3c: {  	[sflag:s10] =	ssyncset.done $0x0  }
0x3d: {  	[sflag:s10] =	ssyncadd.s32 $0xFFFFE000  }
0x3e: {  	[bflag:$0x0] =	sbarrier.arrive $0xFFFF  }
0x3f: {  	[tilespmem:s12], [sflag:$0x2] =	stream.linear.gather [spmem:s7], $0x9E00, $0x38;
	[tilespmem:$0x1FA60] =	vst v63  }
0x40: {  	s16 =	sadd.s32 $0x1, s16;
	_ =	swait.ge [sflag:s10], $0x9E00  }
0x41: {  	p0 =	sne.s32 s16, s9;
	[sflag:s10] =	ssyncset.done $0x0  }
.Ltmp2:
0x42: {  	[sflag:s10] =	ssyncadd.s32 $0xFFFF6200;
	(pc) =	sbr.rel @p0 .LBB2_1-.Ltmp2, $4  }
0x43: {  	[hbm4b:s8+s4] =	stream.linear.scatter [tilespmem:s12], [sflag:$0x2], $0x9E00, $0x38;
	[tilespmem:$0x1FA60] =	vst v63  }
0x44: {  	_ =	swait.ge [sflag:s10], $0x9E00  }
0x45: {  	[sflag:s10] =	ssyncset.done $0x0  }
0x46: {  	[sflag:s10] =	ssyncadd.s32 $0xFFFF6200  }
0x47: {  	_ =	sfence.sel $0x180000  }
0x48: {  	[bflag:$0x0] =	sbarrier.arrive $0xFFFF  }
0x49: {  	p0 =	sne.s32 s0, $0x0;
	_ =	strace $0x9000004D  }
0x4a: {  	s0 =	sadd.s32 @!p0 $0x100000, s2;
	[bflag:$0x2] =	sbarrier.arrive $0xFFFF  }
0x4b: {  	[sflag:s0] =	ssyncadd.tile.s32 @!p0 $0x1;
	_ =	shalt  }
.Lfunc_end2:
_tile_overlayer_lowered:
.L_overlay_start_2:
0x4c: {  	(tag) =	ssettag $0x2  }
0x4d: {  	s0 =	rddreg [dreg:$0x0];
	s2 =	stileid.u32  }
0x4e: {  	s1 =	rddreg [dreg:$0x1];
	p0 =	sne.s32 s2, $0x0  }
0x4f: {  	s3 =	rddreg [dreg:$0x2];
	[bflag:$0x3] =	sbarrier.arrive $0xFFFF;
	s2 =	simm.s32 @!p0 $0x1C02  }
0x50: {  	[timem:s3], [sflag:s2] =	dma.local @!p0 [hbm:s0], s1  }
0x51: {  	s0 =	simm.s32 @!p0 $0x2  }
0x52: {  	_ =	swait.ge @!p0 [sflag:s0], s1  }
0x53: {  	s1 =	ssub.s32 @!p0 $0x0, s1;
	[sflag:s0] =	ssyncset.done @!p0 $0x0  }
0x54: {  	[sflag:s0] =	ssyncadd.s32 @!p0 s1  }
0x55: {  	[bflag:$0x3] =	sbarrier.arrive $0xFFFF  }
0x56: {  	_ =	shalt  }

// kernel: kernel.20.cloned.1.call-start
scs
__scs_entry_jumppad:
0x0: {  	(pc) =	sbr.rel $0x88, $3  }
0x1: {  	(tag) =	ssettag $0x0;
	lr =	simm.s32 $0x1  }
0x2: {  	[smem:$0x3F99] =	sst lr;
	_ =	strace $0xD0000000  }
0x3: {  	_ = 	snop  }
0x4: {  	_ = 	snop  }
0x5: {  	_ = 	snop  }
0x6: {  	_ = 	snop  }
0x7: {  	_ = 	snop  }
__scs_overlays_trampoline_lowered:
0x8: {  	[smem:$0x3FA8] =	sst s0  }
0x9: {  	[smem:$0x3FA9] =	sst s1  }
0xa: {  	[smem:$0x3FAA] =	sst s2  }
0xb: {  	[smem:$0x3FAB] =	sst s3  }
0xc: {  	[smem:$0x3FAC] =	sst s4  }
0xd: {  	[smem:$0x3FAD] =	sst s5  }
0xe: {  	[smem:$0x3FAE] =	sst s6  }
0xf: {  	[smem:$0x3FAF] =	sst s7  }
0x10: {  	[smem:$0x3FB0] =	sst s8  }
0x11: {  	[smem:$0x3FB1] =	sst s9;
	s0 =	simm.s32 @!p0 $0x0  }
0x12: {  	s1 =	sld [smem:$0x3F97];
	s0 =	simm.s32 @p0 $0x1  }
0x13: {  	[smem:$0x3FB2] =	sst s0;
	s0 =	simm.s32 @!p1 $0x0  }
0x14: {  	s2 =	sld [smem:$0x3F96];
	s0 =	simm.s32 @p1 $0x1  }
0x15: {  	[smem:$0x3FB3] =	sst s0;
	s0 =	simm.s32 @!p2 $0x0  }
0x16: {  	s3 =	sld [smem:$0x3FDB];
	s0 =	simm.s32 @p2 $0x1  }
0x17: {  	s4 =	simm.s32 $0x1BF5;
	[smem:$0x3FB5] =	sst s0  }
0x18: {  	s0 =	sld [smem:$0x3F98];
	_ =	swait.ge [sflag:s4], $0x0  }
0x19: {  	s7 =	sld [smem:$0x3F99]  }
0x1a: {  	s8 =	sadd.s32 $0xFFFFE003, lr  }
0x1b: {  	s9 =	sadd.s32 $0xFFFFFEF7, lr;
	s5 =	simm.s32 $0xFFFFFFFF;
	p2 =	slt.u32 s8, $0xFFFFF086  }
0x1c: {  	p1 =	slt.u32 s9, $0xF7A;
	s5 =	simm.s32 @!p2 $0x0  }
0x1d: {  	s5 =	simm.s32 @p1 $0x1;
	p0 =	seq.s32 s7, s2  }
0x1e: {  	s7 =	smul.u32 @!p0 $0xF7A, s2;
	p2 =	seq.s32 @!p0 s5, $0x0  }
0x1f: {  	s9 =	smul.u32 $0xF7A, s1;
	s8 =	simm.s32 @!p0 $0x1BF5;
	p2 =	por !p2, p0  }
0x20: {  	[sflag:s8] =	ssyncset.s32 @!p0 $0xFFFFF086;
	s6 =	sadd.s32 @!p0 s3, s7;
	s7 =	simm.s32 @!p0 $0x108  }
0x21: {  	s3 =	sadd.s32 s3, s9;
	s6 =	sadd.s32 @!p0 $0x88, s6;
	s7 =	simm.s32 @p2 $0x1082  }
0x22: {  	[simem:s7], [sflag:s8] =	dma.local @!p0 [hbm:s6], $0xF7A  }
0x23: {  	s9 =	sor.u32 $0xD0000000, s2;
	s6 =	simm.s32 $0x108;
	_ =	swait.ge @!p0 [sflag:s8], $0x0  }
0x24: {  	s3 =	sadd.s32 $0x88, s3;
	s6 =	simm.s32 @!p1 $0x1082;
	[sflag:s4] =	ssyncset.s32 $0xFFFFF086  }
0x25: {  	[simem:s6], [sflag:s4] =	dma.local [hbm:s3], $0xF7A  }
0x26: {  	[smem:$0x3F99] =	sst s1;
	(tag) =	ssettag s2;
	_ =	strace s9  }
0x27: {  	s1 =	sld [smem:$0x3FA9]  }
0x28: {  	s2 =	sld [smem:$0x3FAA]  }
0x29: {  	s4 =	sld [smem:$0x3FAC]  }
0x2a: {  	p0 =	seq.s32 s5, $0x0;
	s5 =	sld [smem:$0x3FAD]  }
0x2b: {  	s6 =	sld [smem:$0x3FAE]  }
0x2c: {  	s7 =	sld [smem:$0x3FAF]  }
0x2d: {  	s3 =	simm.s32 $0x108;
	s8 =	sld [smem:$0x3FB0]  }
0x2e: {  	s3 =	simm.s32 @!p0 $0x1082;
	s9 =	sld [smem:$0x3FB1]  }
0x2f: {  	lr =	sadd.s32 s0, s3;
	s0 =	sld [smem:$0x3FA8]  }
0x30: {  	s3 =	sld [smem:$0x3FAB]  }
0x31: {  	[smem:$0x3FB4] =	sst s10  }
0x32: {  	s10 =	sld [smem:$0x3FB2];
	_ =	sdelay $0x3  }
0x33: {  	p0 =	seq.s32 s10, $0x1;
	s10 =	sld [smem:$0x3FB4];
	_ =	sdelay $0x3  }
0x34: {  	[smem:$0x3FB4] =	sst s10  }
0x35: {  	s10 =	sld [smem:$0x3FB3];
	_ =	sdelay $0x3  }
0x36: {  	p1 =	seq.s32 s10, $0x1;
	s10 =	sld [smem:$0x3FB4];
	_ =	sdelay $0x3  }
0x37: {  	[smem:$0x3FB4] =	sst s10  }
0x38: {  	s10 =	sld [smem:$0x3FB5]  }
0x39: {  	_ = 	snop;
	(pc) =	sbr.ind lr, $3  }
0x3a: {  	_ = 	snop  }
0x3b: {  	_ = 	snop  }
0x3c: {  	p2 =	seq.s32 s10, $0x1;
	s10 =	sld [smem:$0x3FB4]  }
0x3d: {  	_ =	shalt  }
0x3e: {  	_ =	shalt  }
0x3f: {  	_ =	shalt  }
0x40: {  	_ =	shalt  }
0x41: {  	_ =	shalt  }
0x42: {  	_ =	shalt  }
0x43: {  	_ =	shalt  }
0x44: {  	_ =	shalt  }
0x45: {  	_ =	shalt  }
0x46: {  	_ =	shalt  }
0x47: {  	_ =	shalt  }
0x48: {  	_ =	shalt  }
0x49: {  	_ =	shalt  }
0x4a: {  	_ =	shalt  }
0x4b: {  	_ =	shalt  }
0x4c: {  	_ =	shalt  }
0x4d: {  	_ =	shalt  }
0x4e: {  	_ =	shalt  }
0x4f: {  	_ =	shalt  }
0x50: {  	_ =	shalt  }
0x51: {  	_ =	shalt  }
0x52: {  	_ =	shalt  }
0x53: {  	_ =	shalt  }
0x54: {  	_ =	shalt  }
0x55: {  	_ =	shalt  }
0x56: {  	_ =	shalt  }
0x57: {  	_ =	shalt  }
0x58: {  	_ =	shalt  }
0x59: {  	_ =	shalt  }
0x5a: {  	_ =	shalt  }
0x5b: {  	_ =	shalt  }
0x5c: {  	_ =	shalt  }
0x5d: {  	_ =	shalt  }
0x5e: {  	_ =	shalt  }
0x5f: {  	_ =	shalt  }
0x60: {  	_ =	shalt  }
0x61: {  	_ =	shalt  }
0x62: {  	_ =	shalt  }
0x63: {  	_ =	shalt  }
0x64: {  	_ =	shalt  }
0x65: {  	_ =	shalt  }
0x66: {  	_ =	shalt  }
0x67: {  	_ =	shalt  }
0x68: {  	_ =	shalt  }
0x69: {  	_ =	shalt  }
0x6a: {  	_ =	shalt  }
0x6b: {  	_ =	shalt  }
0x6c: {  	_ =	shalt  }
0x6d: {  	_ =	shalt  }
0x6e: {  	_ =	shalt  }
0x6f: {  	_ =	shalt  }
0x70: {  	_ =	shalt  }
0x71: {  	_ =	shalt  }
0x72: {  	_ =	shalt  }
0x73: {  	_ =	shalt  }
0x74: {  	_ =	shalt  }
0x75: {  	_ =	shalt  }
0x76: {  	_ =	shalt  }
0x77: {  	_ =	shalt  }
0x78: {  	_ =	shalt  }
0x79: {  	_ =	shalt  }
0x7a: {  	_ =	shalt  }
0x7b: {  	_ =	shalt  }
0x7c: {  	_ =	shalt  }
0x7d: {  	_ =	shalt  }
0x7e: {  	_ =	shalt  }
0x7f: {  	_ =	shalt  }
0x80: {  	_ =	shalt  }
0x81: {  	_ =	shalt  }
0x82: {  	_ =	shalt  }
0x83: {  	_ =	shalt  }
0x84: {  	_ =	shalt  }
0x85: {  	_ =	shalt  }
0x86: {  	_ =	shalt  }
0x87: {  	_ =	shalt  }
.Lfunc_end0:
.L_simem_size_0:
called_computation.3_lowered:
.L_overlay_start_0:
0x88: {  	s2 =	sld [smem:$0x3FD9]  }
0x89: {  	s3 =	sld [smem:$0x3FFE];
	_ =	sdelay $0x1  }
0x8a: {  	s1 =	srdreg.scid  }
0x8b: {  	s0 =	sand.u32 $0x1, s1  }
0x8c: {  	s17 =	sshll.u32 s0, $0xA;
	s2 =	sadd.s32 s3, s2  }
0x8d: {  	s2 =	sadd.s32 s2, s17  }
0x8e: {  	[smem:$0x3FC0] =	sst s2  }
0x8f: {  	_ = 	snop  }
0x90: {  	s2 =	sld [smem:$0x3FD0];
	(tm) =	ssettm $0x1  }
0x91: {  	s18 =	sld [smem:$0x3FFB];
	_ =	sdelay $0x3  }
0x92: {  	_ =	strace s18  }
0x93: {  	s3 =	sld [smem:$0x3FFC];
	_ =	sdelay $0x3  }
0x94: {  	_ =	strace s3  }
0x95: {  	s3 =	sld [smem:$0x3FFD];
	_ =	sdelay $0x3  }
0x96: {  	_ =	strace s3  }
0x97: {  	_ =	strace $0x8FFFFFFF  }
0x98: {  	s19 =	sld [smem:$0x3FDB];
	_ =	sdelay $0x1  }
0x99: {  	s4 =	simm.s32 $_scs_section_size  }
0x9a: {  	s5 =	simm.s32 $_size__tile_overlayer_lowered;
	s6 =	simm.s32 $_tile_overlayer_lowered  }
0x9b: {  	s22 =	simm.s32 $0x1BFF;
	s21 =	sshll.u32 s6, $0x1;
	s3 =	sadd.s32 s4, s19  }
0x9c: {  	s7 =	simm.s32 $0x0;
	s20 =	sshll.u32 s5, $0x1;
	s5 =	sadd.s32 s21, s3  }
0x9d: {  	[timem:s7], [sflag:s22] =	dma.local [hbm:s5], s20  }
0x9e: {  	_ =	swait.ge [sflag:s22], s20  }
0x9f: {  	s4 =	ssub.s32 $0x0, s20;
	[sflag:s22] =	ssyncset.done $0x0  }
0xa0: {  	[sflag:s22] =	ssyncadd.s32 s4;
	_ =	sdelay $0x1  }
0xa1: {  	s23 =	simm.s32 $0x1B8B  }
0xa2: {  	_ =	swait.ge [sflag:s23], $0x1  }
0xa3: {  	[sflag:s23] =	ssyncset.done $0x0  }
0xa4: {  	s25 =	simm.s32 $0x1B8E;
	s24 =	sld [smem:$0x3FFE];
	[sflag:s23] =	ssyncadd.s32 $0xFFFFFFFF  }
0xa5: {  	s26 =	simm.s32 $execute0_lowered;
	[smem:$0x3FD2] =	sst s25  }
0xa6: {  	s5 =	sshll.u32 s26, $0x1;
	_ =	strace $0x8000004F;
	[dreg:$0x1] =	wrdreg $0xFFFFFFFF  }
0xa7: {  	s28 =	simm.s32 $_size_execute0_lowered;
	s3 =	sadd.s32 s3, s5;
	[dreg:$0x0] =	wrdreg $0x0  }
0xa8: {  	s5 =	sshll.u32 s28, $0x1;
	[dreg:$0x2] =	wrdreg s3  }
0xa9: {  	[dreg:$0x3] =	wrdreg s5  }
0xaa: {  	[dreg:$0x4] =	wrdreg $0xC0  }
0xab: {  	_ =	task [dreg:s7], $0x5FFFF  }
0xac: {  	[dreg:$0x1] =	wrdreg $0xFFFFFFFF  }
0xad: {  	[dreg:$0x0] =	wrdreg $0x60  }
0xae: {  	[dreg:$0x2] =	wrdreg s2  }
0xaf: {  	[dreg:$0x3] =	wrdreg s24  }
0xb0: {  	[dreg:$0x4] =	wrdreg $0x15E000  }
0xb1: {  	[dreg:$0x5] =	wrdreg $0x9  }
0xb2: {  	_ =	task.clear_ibuf [dreg:s7], $0x6FFFF;
	_ =	strace $0x9000004F  }
0xb3: {  	s29 =	simm.s32 $0x9;
	_ =	strace $0x80000051  }
0xb4: {  	_ =	swait.ge [sflag:s29], $0x1  }
0xb5: {  	[sflag:s29] =	ssyncadd.s32 $0xFFFFFFFF  }
0xb6: {  	_ =	strace $0x90000051  }
0xb7: {  	_ =	sfence  }
0xb8: {  	s30 =	sld [smem:$0x0];
	_ =	sdelay $0x2  }
0xb9: {  	s31 =	sshll.u32 s1, $0xD;
	s1 =	sshrl.u32 s1, $0x2  }
0xba: {  	s3 =	sand.u32 $0x4000, s31;
	s1 =	sadd.s32 s1, s30  }
0xbb: {  	s0 =	sor.u32 s3, s0;
	s1 =	sshll.u32 s1, $0x11  }
0xbc: {  	s0 =	sor.u32 s1, s0  }
0xbd: {  	s0 =	sadd.s32 $0x8F2B, s0  }
0xbe: {  	[sflag:s0] =	ssyncadd.remote.s32 $0x1  }
0xbf: {  	_ =	sfence.sel $0xFFFF  }
0xc0: {  	[dreg:$0x0] =	wrdreg $0xFFFFFFFF;
	(pc) =	sbr.abs _section_cstart, $3  }
0xc1: {  	[dreg:$0x1] =	wrdreg $0xFFFFFFFF  }
0xc2: {  	_ =	task.clear_ibuf [dreg:s7], $0x2FFFF;
	_ =	strace $0x9FFFFFFF  }
0xc3: {  	(tm) =	ssettm $0x7FFFFFFF  }
tec
execute0_lowered:
.L_overlay_start_1:
0x0: {  	(tag) =	ssettag $0x1  }
0x1: {  	s1 =	rddreg [dreg:$0x0]  }
0x2: {  	s2 =	srdreg.scid;
	s5 =	rddreg [dreg:$0x1]  }
0x3: {  	s0 =	stileid.u32;
	s3 =	rddreg [dreg:$0x2];
	s4 =	simm.s32 $0x0  }
0x4: {  	s12 =	simm.s32 $0xC000;
	s13 =	simm.s32 $0x80;
	s7 =	smul.u32 $0x5000, s0  }
0x5: {  	s14 =	simm.s32 $0xA000;
	s6 =	sand.u32 $0x1, s2;
	s9 =	smul.u32 $0x278, s0  }
0x6: {  	s15 =	simm.s32 $0x1;
	s2 =	rddreg [dreg:$0x3];
	s8 =	smul.u32 $0x50000, s6  }
0x7: {  	s16 =	simm.s32 $0x0;
	[smem:$0x7FF] =	sst s4;
	s10 =	smul.u32 $0x9C600, s6  }
0x8: {  	_ =	strace $0x80000050;
	s6 =	ssub.s32 $0x2, s6;
	s9 =	smin.u32 s9, $0x24A0  }
0x9: {  	s11 =	sshrl.u32 s6, $0x1;
	s8 =	sadd.s32 s7, s8;
	s9 =	sshll.u32 s9, $0x6  }
0xa: {  	s7 =	sshrl.u32 s7, $0x3;
	s11 =	ssub.s32 s6, s11;
	s8 =	sshrl.u32 s8, $0x3  }
0xb: {  	s10 =	sadd.s32 s10, s9;
	s7 =	sadd.s32 s7, s5;
	s8 =	sadd.s32 s8, s5  }
0xc: {  	s10 =	sshrl.u32 s10, $0x3;
	s6 =	sadd.s32 $0x1E00, s7;
	s7 =	sadd.s32 s9, s3  }
0xd: {  	s9 =	smax.u32 s11, $0x1;
	s11 =	simm.s32 $0x5000;
	s10 =	sadd.s32 s10, s5  }
0xe: {  	v0 =	vimm.f32 $0.0e+00;
	s5 =	sadd.s32 $0xBE00, s8;
	s8 =	sadd.s32 $0x6E000, s10;
	s10 =	simm.s32 $0x2  }
.LBB2_1:
0xf: {  	[tilespmem:s4], [sflag:$0x2] =	stream.linear.gather [hbm4b:s5+s4], $0x5000, $0x38;
	[tilespmem:$0x1FA60] =	vst v63  }
0x10: {  	_ =	swait.ge [sflag:s10], $0x5000  }
0x11: {  	[sflag:s10] =	ssyncset.done $0x0  }
0x12: {  	[sflag:s10] =	ssyncadd.s32 $0xFFFFB000  }
0x13: {  	[tilespmem:s11], [sflag:$0x2] =	stream.linear.gather [hbm4b:s6+s4], $0x5000, $0x38;
	[tilespmem:$0x1FA60] =	vst v63  }
0x14: {  	_ =	swait.ge [sflag:s10], $0x5000  }
0x15: {  	[sflag:s10] =	ssyncset.done $0x0  }
0x16: {  	s18 =	simm.s32 $0x100;
	s17 =	simm.s32 $0x0;
	[sflag:s10] =	ssyncadd.s32 $0xFFFFB000  }
.LBB2_2:
0x17: {  	p0 =	sne.s32 s18, $0x27700;
	[tilespmem:s17+$0xC030] =	vst v0;
	s19 =	smov.u32 s18;
	s18 =	sadd.s32 $0x100, s18  }
.Ltmp0:
0x18: {  	[tilespmem:s17+$0xC020] =	vst v0;
	(pc) =	sbr.rel @p0 .LBB2_2-.Ltmp0, $3  }
0x19: {  	[tilespmem:s17+$0xC000] =	vst v0  }
0x1a: {  	[tilespmem:s17+$0xC010] =	vst v0;
	_ =	sdelay $0x1  }
0x1b: {  	s17 =	sshra.s32 s19, $0x2  }
0x1c: {  	[tilespmem:s17+$0xC030] =	vst v0  }
0x1d: {  	[tilespmem:s17+$0xC020] =	vst v0  }
0x1e: {  	[tilespmem:s17+$0xC000] =	vst v0  }
0x1f: {  	[tilespmem:s17+$0xC010] =	vst v0  }
0x20: {  	[spmem:s7] =	stream.linear.scatter [tilespmem:s12], [sflag:$0x2], $0x9E00, $0x38;
	[tilespmem:$0x1FA60] =	vst v63  }
0x21: {  	_ =	swait.ge [sflag:s10], $0x9E00  }
0x22: {  	[sflag:s10] =	ssyncset.done $0x0  }
0x23: {  	[sflag:s10] =	ssyncadd.s32 $0xFFFF6200  }
0x24: {  	s30 =	simm.s32 $0x0;
	[bflag:$0x0] =	sbarrier.arrive $0xFFFF  }
0x25: {  	[tilespmem:s14], [sflag:$0x1] =	stream.indirect.gather [hbm4b:s1+s13], $0x40, s30, s13, $0xb8;
	[tilespmem:$0x1FA60] =	vst v63  }
0x26: {  	_ =	swait.ge [sflag:s15], $0x2000  }
0x27: {  	[sflag:s15] =	ssyncset.done $0x0  }
0x28: {  	s31 =	simm.s32 $0x5000;
	[sflag:s15] =	ssyncadd.s32 $0xFFFFE000  }
0x29: {  	[spmem:s3] =	stream.indirect.scatter.add.f32 [tilespmem:s14], [sflag:$0x2], $0x40, s31, s13, $0xb8;
	[tilespmem:$0x1FA60] =	vst v63  }
0x2a: {  	_ =	swait.ge [sflag:s10], $0x2000  }
0x2b: {  	s17 =	simm.s32 $0x200;
	s18 =	simm.s32 $0x400;
	[sflag:s10] =	ssyncset.done $0x0  }
.LBB2_4:
0x2c: {  	s19 =	sshra.s32 s17, $0x2  }
0x2d: {  	[sflag:s10] =	ssyncadd.s32 $0xFFFFE000;
	s17 =	smov.u32 s18;
	s20 =	sadd.s32 $0x200, s18  }
0x2e: {  	[tilespmem:s14], [sflag:$0x1] =	stream.indirect.gather [hbm4b:s1+s13], $0x40, s19, s13, $0xb8;
	[tilespmem:$0x1FA60] =	vst v63  }
0x2f: {  	p0 =	sne.s32 s18, $0x13E00;
	_ =	swait.ge [sflag:s15], $0x2000  }
.Ltmp1:
0x30: {  	[sflag:s15] =	ssyncset.done $0x0;
	(pc) =	sbr.rel @p0 .LBB2_4-.Ltmp1, $4  }
0x31: {  	s18 =	sadd.s32 $0x5000, s19;
	[sflag:s15] =	ssyncadd.s32 $0xFFFFE000  }
0x32: {  	[spmem:s3] =	stream.indirect.scatter.add.f32 [tilespmem:s14], [sflag:$0x2], $0x40, s18, s13, $0xb8;
	[tilespmem:$0x1FA60] =	vst v63  }
0x33: {  	_ =	swait.ge [sflag:s10], $0x2000  }
0x34: {  	s18 =	smov.u32 s20;
	[sflag:s10] =	ssyncset.done $0x0  }
0x35: {  	s17 =	sshra.s32 s17, $0x2;
	[sflag:s10] =	ssyncadd.s32 $0xFFFFE000  }
0x36: {  	[tilespmem:s14], [sflag:$0x1] =	stream.indirect.gather [hbm4b:s1+s13], $0x40, s17, s13, $0xb8;
	[tilespmem:$0x1FA60] =	vst v63  }
0x37: {  	_ =	swait.ge [sflag:s15], $0x2000  }
0x38: {  	[sflag:s15] =	ssyncset.done $0x0  }
0x39: {  	s17 =	sadd.s32 $0x5000, s17;
	[sflag:s15] =	ssyncadd.s32 $0xFFFFE000  }
0x3a: {  	[spmem:s3] =	stream.indirect.scatter.add.f32 [tilespmem:s14], [sflag:$0x2], $0x40, s17, s13, $0xb8;
	[tilespmem:$0x1FA60] =	vst v63  }
0x3b: {  	_ =	swait.ge [sflag:s10], $0x2000  }
0x3c: {  	[sflag:s10] =	ssyncset.done $0x0  }
0x3d: {  	[sflag:s10] =	ssyncadd.s32 $0xFFFFE000  }
0x3e: {  	[bflag:$0x0] =	sbarrier.arrive $0xFFFF  }
0x3f: {  	[tilespmem:s12], [sflag:$0x2] =	stream.linear.gather [spmem:s7], $0x9E00, $0x38;
	[tilespmem:$0x1FA60] =	vst v63  }
0x40: {  	s16 =	sadd.s32 $0x1, s16;
	_ =	swait.ge [sflag:s10], $0x9E00  }
0x41: {  	p0 =	sne.s32 s16, s9;
	[sflag:s10] =	ssyncset.done $0x0  }
.Ltmp2:
0x42: {  	[sflag:s10] =	ssyncadd.s32 $0xFFFF6200;
	(pc) =	sbr.rel @p0 .LBB2_1-.Ltmp2, $4  }
0x43: {  	[hbm4b:s8+s4] =	stream.linear.scatter [tilespmem:s12], [sflag:$0x2], $0x9E00, $0x38;
	[tilespmem:$0x1FA60] =	vst v63  }
0x44: {  	_ =	swait.ge [sflag:s10], $0x9E00  }
0x45: {  	[sflag:s10] =	ssyncset.done $0x0  }
0x46: {  	[sflag:s10] =	ssyncadd.s32 $0xFFFF6200  }
0x47: {  	_ =	sfence.sel $0x180000  }
0x48: {  	[bflag:$0x0] =	sbarrier.arrive $0xFFFF  }
0x49: {  	p0 =	sne.s32 s0, $0x0;
	_ =	strace $0x90000050  }
0x4a: {  	s0 =	sadd.s32 @!p0 $0x100000, s2;
	[bflag:$0x2] =	sbarrier.arrive $0xFFFF  }
0x4b: {  	[sflag:s0] =	ssyncadd.tile.s32 @!p0 $0x1;
	_ =	shalt  }
.Lfunc_end2:
_tile_overlayer_lowered:
.L_overlay_start_2:
0x4c: {  	(tag) =	ssettag $0x2  }
0x4d: {  	s0 =	rddreg [dreg:$0x0];
	s2 =	stileid.u32  }
0x4e: {  	s1 =	rddreg [dreg:$0x1];
	p0 =	sne.s32 s2, $0x0  }
0x4f: {  	s3 =	rddreg [dreg:$0x2];
	[bflag:$0x3] =	sbarrier.arrive $0xFFFF;
	s2 =	simm.s32 @!p0 $0x1C02  }
0x50: {  	[timem:s3], [sflag:s2] =	dma.local @!p0 [hbm:s0], s1  }
0x51: {  	s0 =	simm.s32 @!p0 $0x2  }
0x52: {  	_ =	swait.ge @!p0 [sflag:s0], s1  }
0x53: {  	s1 =	ssub.s32 @!p0 $0x0, s1;
	[sflag:s0] =	ssyncset.done @!p0 $0x0  }
0x54: {  	[sflag:s0] =	ssyncadd.s32 @!p0 s1  }
0x55: {  	[bflag:$0x3] =	sbarrier.arrive $0xFFFF  }
0x56: {  	_ =	shalt  }

</sc_bundles>
